<compile_context>
chip_gen: v7x
topology: tpu7x:2x2x1
jax: 0.10.2.dev20260603
libtpu: 0.0.44.dev20260713+nightly
codegen_flags: <defaults>
</compile_context>

<pallas_src>
import functools

import jax
import jax.numpy as jnp
from jax import lax
from jax.experimental import pallas as pl
from jax.experimental.pallas import tpu as pltpu
from jax.experimental.pallas import tpu_sc as plsc

_NBUF = 5


def _build_gather(V, D, NW, NC, n_chunks, chunk):
    mesh = plsc.VectorSubcoreMesh(core_axis_name="c", subcore_axis_name="s")

    @functools.partial(
        pl.kernel,
        mesh=mesh,
        out_type=jax.ShapeDtypeStruct((NW, n_chunks, chunk, D), jnp.float32),
        scratch_types=[
            pltpu.VMEM((n_chunks, chunk), jnp.int32),
            *[pltpu.VMEM((chunk, D), jnp.float32) for _ in range(_NBUF)],
            *[pltpu.SemaphoreType.DMA for _ in range(2 * _NBUF)],
        ],
    )
    def gather_kernel(table_hbm, idx_hbm, out_hbm, idx_v, *scratch):
        rows = scratch[:_NBUF]
        gsem = scratch[_NBUF:2 * _NBUF]
        wsem = scratch[2 * _NBUF:]
        wid = lax.axis_index("s") * NC + lax.axis_index("c")
        pltpu.sync_copy(idx_hbm.at[wid], idx_v)

        for b in range(_NBUF):
            pltpu.async_copy(table_hbm.at[idx_v.at[b]], rows[b], gsem[b])

        def outer(j, _):
            for b in range(_NBUF):
                g = j * _NBUF + b
                bprev = (b - 1) % _NBUF
                cond = (g >= 1) & (g <= n_chunks - _NBUF)

                @pl.when(cond)
                def _(g=g, bprev=bprev):
                    pltpu.make_async_copy(
                        rows[bprev], out_hbm.at[wid, g - 1], wsem[bprev]
                    ).wait()
                    pltpu.async_copy(
                        table_hbm.at[idx_v.at[g - 1 + _NBUF]], rows[bprev],
                        gsem[bprev],
                    )

                pltpu.make_async_copy(
                    table_hbm.at[idx_v.at[g]], rows[b], gsem[b]
                ).wait()
                pltpu.async_copy(rows[b], out_hbm.at[wid, g], wsem[b])
            return 0

        lax.fori_loop(0, n_chunks // _NBUF, outer, 0)

        for b in range(_NBUF):
            pltpu.make_async_copy(rows[b], out_hbm.at[wid, b], wsem[b]).wait()

    return gather_kernel


def kernel(input_ids, charactor_embeddings):
    B, S = input_ids.shape
    V, D = charactor_embeddings.shape
    N = B * S
    info = plsc.get_sparse_core_info()
    NC, NS = info.num_cores, info.num_subcores
    NW = NC * NS
    chunk = 128
    n_chunks = N // (NW * chunk)
    assert N == NW * n_chunks * chunk and n_chunks % _NBUF == 0
    idx = input_ids.reshape(NW, n_chunks, chunk)
    out = _build_gather(V, D, NW, NC, n_chunks, chunk)(charactor_embeddings, idx)
    return out.reshape(B, S, D)

# --- scband reference (transcript-rebuilt; emitter-appended) ---
"""Pipeline reference for scband-tffast-speech-embeddings-42004780154968 (READ-ONLY COPY).

The authoritative reference and input builder live on the scoring server;
editing this copy changes nothing except your own understanding.
"""

import jax, jax.numpy as jnp
import numpy as np

VOCAB_SIZE = 100000
HIDDEN_SIZE = 128
INITIALIZER_RANGE = 0.02
BATCH = 1024
SEQ_LEN = 200


def setup_inputs(seed: int = 0) -> dict:
    key = jax.random.key(seed)
    k_ids, k_table = jax.random.split(key)
    input_ids = jax.random.randint(k_ids, (BATCH, SEQ_LEN), 0, VOCAB_SIZE, dtype=jnp.int32)
    # truncated-normal initializer with stddev=initializer_range (approximate with normal*std)
    charactor_embeddings = jax.random.truncated_normal(
        k_table, -2.0, 2.0, (VOCAB_SIZE, HIDDEN_SIZE), dtype=jnp.float32
    ) * INITIALIZER_RANGE
    return {"input_ids": input_ids, "charactor_embeddings": charactor_embeddings}


def reference(input_ids, charactor_embeddings):
    # tf.gather(self.charactor_embeddings, input_ids)
    return jnp.take(charactor_embeddings, input_ids, axis=0)

if __name__ == "__main__":
    import jax
    _d = setup_inputs()
    print(jax.jit(kernel)(*tuple(_d.values())))

</pallas_src>

<mosaic_0001>
#map = affine_map<(d0, d1) -> (0, 0)>
#map1 = affine_map<(d0, d1) -> (0, 0, 0)>
#map2 = affine_map<(d0, d1) -> (0, 0, 0, 0)>
module attributes {stable_mosaic.version = 14 : i64} {
  func.func @gather_kernel(%arg0: i32, %arg1: i32, %arg2: memref<100000x128xf32, #tpu.memory_space<hbm>>, %arg3: memref<32x50x128xi32, #tpu.memory_space<hbm>>, %arg4: memref<32x50x128x128xf32, #tpu.memory_space<hbm>>, %arg5: memref<50x128xi32, #tpu.memory_space<vmem>>, %arg6: memref<128x128xf32, #tpu.memory_space<vmem>>, %arg7: memref<128x128xf32, #tpu.memory_space<vmem>>, %arg8: memref<128x128xf32, #tpu.memory_space<vmem>>, %arg9: memref<128x128xf32, #tpu.memory_space<vmem>>, %arg10: memref<128x128xf32, #tpu.memory_space<vmem>>, %arg11: memref<!tpu.dma_semaphore, #tpu.memory_space<semaphore_mem>>, %arg12: memref<!tpu.dma_semaphore, #tpu.memory_space<semaphore_mem>>, %arg13: memref<!tpu.dma_semaphore, #tpu.memory_space<semaphore_mem>>, %arg14: memref<!tpu.dma_semaphore, #tpu.memory_space<semaphore_mem>>, %arg15: memref<!tpu.dma_semaphore, #tpu.memory_space<semaphore_mem>>, %arg16: memref<!tpu.dma_semaphore, #tpu.memory_space<semaphore_mem>>, %arg17: memref<!tpu.dma_semaphore, #tpu.memory_space<semaphore_mem>>, %arg18: memref<!tpu.dma_semaphore, #tpu.memory_space<semaphore_mem>>, %arg19: memref<!tpu.dma_semaphore, #tpu.memory_space<semaphore_mem>>, %arg20: memref<!tpu.dma_semaphore, #tpu.memory_space<semaphore_mem>>) attributes {dimension_semantics = [#tpu.dimension_semantics<core_parallel>, #tpu.dimension_semantics<subcore_parallel>], iteration_bounds = array<i64: 2, 16>, scalar_prefetch = 0 : i64, scratch_operands = 16 : i64, tpu.core_type = #tpu.core_type<sc_vector_subcore>, window_params = [{transform_indices = #map}, {transform_indices = #map1}, {transform_indices = #map2}]} {
    %mul3A = arith.constant 2 : i32
    %mul3A_0 = arith.muli %arg1, %mul3A : i32
    %add3A = arith.addi %mul3A_0, %arg0 : i32
    "tpu.region"() ({
      %run_scoped3A = tpu.sem_alloc : memref<!tpu.dma_semaphore, #tpu.memory_space<semaphore_mem>>
      %dma_start3A_85 = arith.constant 0 : i32
      %dma_start3A_86 = arith.constant 0 : i32
      %dma_start3A_87 = tpu.memref_slice %arg3[%add3A, %dma_start3A_85, %dma_start3A_86] : memref<32x50x128xi32, #tpu.memory_space<hbm>> -> memref<1x50x128xi32, #tpu.memory_space<hbm>>
      %dma_start3A_88 = tpu.memref_squeeze %dma_start3A_87 : memref<1x50x128xi32, #tpu.memory_space<hbm>> -> memref<50x128xi32, #tpu.memory_space<hbm>>
      %dma_start3A_89 = arith.constant 0 : i32
      %dma_start3A_90 = arith.constant 0 : i32
      %dma_start3A_91 = tpu.memref_slice %arg3[%add3A, %dma_start3A_89, %dma_start3A_90] : memref<32x50x128xi32, #tpu.memory_space<hbm>> -> memref<1x50x128xi32, #tpu.memory_space<hbm>>
      %dma_start3A_92 = tpu.memref_squeeze %dma_start3A_91 : memref<1x50x128xi32, #tpu.memory_space<hbm>> -> memref<50x128xi32, #tpu.memory_space<hbm>>
      tpu.enqueue_dma source(%dma_start3A_92 : memref<50x128xi32, #tpu.memory_space<hbm>>) target(%arg5 : memref<50x128xi32, #tpu.memory_space<vmem>>) target_semaphore(%run_scoped3A : memref<!tpu.dma_semaphore, #tpu.memory_space<semaphore_mem>>)
      %dma_wait3A_93 = arith.constant 0 : i32
      %dma_wait3A_94 = arith.constant 0 : i32
      %dma_wait3A_95 = tpu.memref_slice %arg3[%add3A, %dma_wait3A_93, %dma_wait3A_94] : memref<32x50x128xi32, #tpu.memory_space<hbm>> -> memref<1x50x128xi32, #tpu.memory_space<hbm>>
      %dma_wait3A_96 = tpu.memref_squeeze %dma_wait3A_95 : memref<1x50x128xi32, #tpu.memory_space<hbm>> -> memref<50x128xi32, #tpu.memory_space<hbm>>
      %dma_wait3A_97 = arith.constant 0 : i32
      %dma_wait3A_98 = arith.constant 0 : i32
      %dma_wait3A_99 = tpu.memref_slice %arg3[%add3A, %dma_wait3A_97, %dma_wait3A_98] : memref<32x50x128xi32, #tpu.memory_space<hbm>> -> memref<1x50x128xi32, #tpu.memory_space<hbm>>
      %dma_wait3A_100 = tpu.memref_squeeze %dma_wait3A_99 : memref<1x50x128xi32, #tpu.memory_space<hbm>> -> memref<50x128xi32, #tpu.memory_space<hbm>>
      tpu.wait_dma2 semaphore(%run_scoped3A : memref<!tpu.dma_semaphore, #tpu.memory_space<semaphore_mem>>) src(%dma_wait3A_100 : memref<50x128xi32, #tpu.memory_space<hbm>>) dst(%arg5 : memref<50x128xi32, #tpu.memory_space<vmem>>)
      tpu.yield
    }) : () -> ()
    %dma_start3A = arith.constant 0 : i32
    %dma_start3A_1 = arith.constant 0 : i32
    %dma_start3A_2 = tpu.memref_slice %arg5[%dma_start3A, %dma_start3A_1] : memref<50x128xi32, #tpu.memory_space<vmem>> -> memref<1x128xi32, #tpu.memory_space<vmem>>
    %dma_start3A_3 = tpu.memref_squeeze %dma_start3A_2 : memref<1x128xi32, #tpu.memory_space<vmem>> -> memref<128xi32, #tpu.memory_space<vmem>>
    %dma_start3A_4 = arith.constant 0 : i32
    %dma_start3A_5 = arith.constant 0 : i32
    %dma_start3A_6 = tpu.memref_slice %arg2[%dma_start3A_4, %dma_start3A_5] : memref<100000x128xf32, #tpu.memory_space<hbm>> -> memref<100000x128xf32, #tpu.memory_space<hbm>>
    tpu.enqueue_indirect_dma source(%dma_start3A_6 : memref<100000x128xf32, #tpu.memory_space<hbm>>) target(%arg6 : memref<128x128xf32, #tpu.memory_space<vmem>>) offsets(%dma_start3A_3 : memref<128xi32, #tpu.memory_space<vmem>>) semaphore(%arg11 : memref<!tpu.dma_semaphore, #tpu.memory_space<semaphore_mem>>)
    %dma_start3A_7 = arith.constant 1 : i32
    %dma_start3A_8 = arith.constant 0 : i32
    %dma_start3A_9 = tpu.memref_slice %arg5[%dma_start3A_7, %dma_start3A_8] : memref<50x128xi32, #tpu.memory_space<vmem>> -> memref<1x128xi32, #tpu.memory_space<vmem>>
    %dma_start3A_10 = tpu.memref_squeeze %dma_start3A_9 : memref<1x128xi32, #tpu.memory_space<vmem>> -> memref<128xi32, #tpu.memory_space<vmem>>
    %dma_start3A_11 = arith.constant 0 : i32
    %dma_start3A_12 = arith.constant 0 : i32
    %dma_start3A_13 = tpu.memref_slice %arg2[%dma_start3A_11, %dma_start3A_12] : memref<100000x128xf32, #tpu.memory_space<hbm>> -> memref<100000x128xf32, #tpu.memory_space<hbm>>
    tpu.enqueue_indirect_dma source(%dma_start3A_13 : memref<100000x128xf32, #tpu.memory_space<hbm>>) target(%arg7 : memref<128x128xf32, #tpu.memory_space<vmem>>) offsets(%dma_start3A_10 : memref<128xi32, #tpu.memory_space<vmem>>) semaphore(%arg12 : memref<!tpu.dma_semaphore, #tpu.memory_space<semaphore_mem>>)
    %dma_start3A_14 = arith.constant 2 : i32
    %dma_start3A_15 = arith.constant 0 : i32
    %dma_start3A_16 = tpu.memref_slice %arg5[%dma_start3A_14, %dma_start3A_15] : memref<50x128xi32, #tpu.memory_space<vmem>> -> memref<1x128xi32, #tpu.memory_space<vmem>>
    %dma_start3A_17 = tpu.memref_squeeze %dma_start3A_16 : memref<1x128xi32, #tpu.memory_space<vmem>> -> memref<128xi32, #tpu.memory_space<vmem>>
    %dma_start3A_18 = arith.constant 0 : i32
    %dma_start3A_19 = arith.constant 0 : i32
    %dma_start3A_20 = tpu.memref_slice %arg2[%dma_start3A_18, %dma_start3A_19] : memref<100000x128xf32, #tpu.memory_space<hbm>> -> memref<100000x128xf32, #tpu.memory_space<hbm>>
    tpu.enqueue_indirect_dma source(%dma_start3A_20 : memref<100000x128xf32, #tpu.memory_space<hbm>>) target(%arg8 : memref<128x128xf32, #tpu.memory_space<vmem>>) offsets(%dma_start3A_17 : memref<128xi32, #tpu.memory_space<vmem>>) semaphore(%arg13 : memref<!tpu.dma_semaphore, #tpu.memory_space<semaphore_mem>>)
    %dma_start3A_21 = arith.constant 3 : i32
    %dma_start3A_22 = arith.constant 0 : i32
    %dma_start3A_23 = tpu.memref_slice %arg5[%dma_start3A_21, %dma_start3A_22] : memref<50x128xi32, #tpu.memory_space<vmem>> -> memref<1x128xi32, #tpu.memory_space<vmem>>
    %dma_start3A_24 = tpu.memref_squeeze %dma_start3A_23 : memref<1x128xi32, #tpu.memory_space<vmem>> -> memref<128xi32, #tpu.memory_space<vmem>>
    %dma_start3A_25 = arith.constant 0 : i32
    %dma_start3A_26 = arith.constant 0 : i32
    %dma_start3A_27 = tpu.memref_slice %arg2[%dma_start3A_25, %dma_start3A_26] : memref<100000x128xf32, #tpu.memory_space<hbm>> -> memref<100000x128xf32, #tpu.memory_space<hbm>>
    tpu.enqueue_indirect_dma source(%dma_start3A_27 : memref<100000x128xf32, #tpu.memory_space<hbm>>) target(%arg9 : memref<128x128xf32, #tpu.memory_space<vmem>>) offsets(%dma_start3A_24 : memref<128xi32, #tpu.memory_space<vmem>>) semaphore(%arg14 : memref<!tpu.dma_semaphore, #tpu.memory_space<semaphore_mem>>)
    %dma_start3A_28 = arith.constant 4 : i32
    %dma_start3A_29 = arith.constant 0 : i32
    %dma_start3A_30 = tpu.memref_slice %arg5[%dma_start3A_28, %dma_start3A_29] : memref<50x128xi32, #tpu.memory_space<vmem>> -> memref<1x128xi32, #tpu.memory_space<vmem>>
    %dma_start3A_31 = tpu.memref_squeeze %dma_start3A_30 : memref<1x128xi32, #tpu.memory_space<vmem>> -> memref<128xi32, #tpu.memory_space<vmem>>
    %dma_start3A_32 = arith.constant 0 : i32
    %dma_start3A_33 = arith.constant 0 : i32
    %dma_start3A_34 = tpu.memref_slice %arg2[%dma_start3A_32, %dma_start3A_33] : memref<100000x128xf32, #tpu.memory_space<hbm>> -> memref<100000x128xf32, #tpu.memory_space<hbm>>
    tpu.enqueue_indirect_dma source(%dma_start3A_34 : memref<100000x128xf32, #tpu.memory_space<hbm>>) target(%arg10 : memref<128x128xf32, #tpu.memory_space<vmem>>) offsets(%dma_start3A_31 : memref<128xi32, #tpu.memory_space<vmem>>) semaphore(%arg15 : memref<!tpu.dma_semaphore, #tpu.memory_space<semaphore_mem>>)
    %scan3A = arith.constant 0 : i32
    %scan3A_35 = arith.constant 0 : i32
    %scan3A_36 = arith.constant 10 : i32
    %scan3A_37 = arith.addi %scan3A_35, %scan3A_36 : i32
    %scan3A_38 = arith.constant 1 : i32
    %scan3A_39 = scf.for %scan3A_85 = %scan3A_35 to %scan3A_37 step %scan3A_38 iter_args(%scan3A_86 = %scan3A) -> (i32)  : i32 {
      %mul3A_87 = arith.constant 5 : i32
      %mul3A_88 = arith.muli %scan3A_85, %mul3A_87 : i32
      %add3A_89 = arith.constant 0 : i32
      %add3A_90 = arith.addi %mul3A_88, %add3A_89 : i32
      %ge3A = arith.constant 1 : i32
      %ge3A_91 = arith.cmpi sge, %add3A_90, %ge3A : i32
      %le3A = arith.constant 45 : i32
      %le3A_92 = arith.cmpi sle, %add3A_90, %le3A : i32
      %and3A = arith.andi %ge3A_91, %le3A_92 : i1
      %convert_element_type3A = arith.extui %and3A : i1 to i32
      %cond3A = arith.constant 0 : i32
      %cond3A_93 = arith.cmpi ne, %convert_element_type3A, %cond3A : i32
      scf.if %cond3A_93 {
        %sub3A = arith.constant 1 : i32
        %sub3A_213 = arith.subi %add3A_90, %sub3A : i32
        %dma_wait3A_214 = arith.constant 0 : i32
        %dma_wait3A_215 = arith.constant 0 : i32
        %dma_wait3A_216 = tpu.memref_slice %arg4[%add3A, %sub3A_213, %dma_wait3A_214, %dma_wait3A_215] : memref<32x50x128x128xf32, #tpu.memory_space<hbm>> -> memref<1x1x128x128xf32, #tpu.memory_space<hbm>>
        %dma_wait3A_217 = tpu.memref_squeeze %dma_wait3A_216 : memref<1x1x128x128xf32, #tpu.memory_space<hbm>> -> memref<128x128xf32, #tpu.memory_space<hbm>>
        %dma_wait3A_218 = arith.constant 0 : i32
        %dma_wait3A_219 = arith.constant 0 : i32
        %dma_wait3A_220 = tpu.memref_slice %arg4[%add3A, %sub3A_213, %dma_wait3A_218, %dma_wait3A_219] : memref<32x50x128x128xf32, #tpu.memory_space<hbm>> -> memref<1x1x128x128xf32, #tpu.memory_space<hbm>>
        %dma_wait3A_221 = tpu.memref_squeeze %dma_wait3A_220 : memref<1x1x128x128xf32, #tpu.memory_space<hbm>> -> memref<128x128xf32, #tpu.memory_space<hbm>>
        tpu.wait_dma2 semaphore(%arg20 : memref<!tpu.dma_semaphore, #tpu.memory_space<semaphore_mem>>) src(%arg10 : memref<128x128xf32, #tpu.memory_space<vmem>>) dst(%dma_wait3A_221 : memref<128x128xf32, #tpu.memory_space<hbm>>)
        %sub3A_222 = arith.constant 1 : i32
        %sub3A_223 = arith.subi %add3A_90, %sub3A_222 : i32
        %add3A_224 = arith.constant 5 : i32
        %add3A_225 = arith.addi %sub3A_223, %add3A_224 : i32
        %dma_start3A_226 = arith.constant 0 : i32
        %dma_start3A_227 = tpu.memref_slice %arg5[%add3A_225, %dma_start3A_226] : memref<50x128xi32, #tpu.memory_space<vmem>> -> memref<1x128xi32, #tpu.memory_space<vmem>>
        %dma_start3A_228 = tpu.memref_squeeze %dma_start3A_227 : memref<1x128xi32, #tpu.memory_space<vmem>> -> memref<128xi32, #tpu.memory_space<vmem>>
        %dma_start3A_229 = arith.constant 0 : i32
        %dma_start3A_230 = arith.constant 0 : i32
        %dma_start3A_231 = tpu.memref_slice %arg2[%dma_start3A_229, %dma_start3A_230] : memref<100000x128xf32, #tpu.memory_space<hbm>> -> memref<100000x128xf32, #tpu.memory_space<hbm>>
        tpu.enqueue_indirect_dma source(%dma_start3A_231 : memref<100000x128xf32, #tpu.memory_space<hbm>>) target(%arg10 : memref<128x128xf32, #tpu.memory_space<vmem>>) offsets(%dma_start3A_228 : memref<128xi32, #tpu.memory_space<vmem>>) semaphore(%arg15 : memref<!tpu.dma_semaphore, #tpu.memory_space<semaphore_mem>>)
      } else {
      }
      %dma_wait3A_94 = arith.constant 0 : i32
      %dma_wait3A_95 = tpu.memref_slice %arg5[%add3A_90, %dma_wait3A_94] : memref<50x128xi32, #tpu.memory_space<vmem>> -> memref<1x128xi32, #tpu.memory_space<vmem>>
      %dma_wait3A_96 = tpu.memref_squeeze %dma_wait3A_95 : memref<1x128xi32, #tpu.memory_space<vmem>> -> memref<128xi32, #tpu.memory_space<vmem>>
      %dma_wait3A_97 = arith.constant 0 : i32
      %dma_wait3A_98 = arith.constant 0 : i32
      %dma_wait3A_99 = tpu.memref_slice %arg2[%dma_wait3A_97, %dma_wait3A_98] : memref<100000x128xf32, #tpu.memory_space<hbm>> -> memref<100000x128xf32, #tpu.memory_space<hbm>>
      tpu.wait_indirect_dma semaphore(%arg11 : memref<!tpu.dma_semaphore, #tpu.memory_space<semaphore_mem>>) src(%dma_wait3A_99 : memref<100000x128xf32, #tpu.memory_space<hbm>>) dst(%arg6 : memref<128x128xf32, #tpu.memory_space<vmem>>)
      %dma_start3A_100 = arith.constant 0 : i32
      %dma_start3A_101 = arith.constant 0 : i32
      %dma_start3A_102 = tpu.memref_slice %arg4[%add3A, %add3A_90, %dma_start3A_100, %dma_start3A_101] : memref<32x50x128x128xf32, #tpu.memory_space<hbm>> -> memref<1x1x128x128xf32, #tpu.memory_space<hbm>>
      %dma_start3A_103 = tpu.memref_squeeze %dma_start3A_102 : memref<1x1x128x128xf32, #tpu.memory_space<hbm>> -> memref<128x128xf32, #tpu.memory_space<hbm>>
      %dma_start3A_104 = arith.constant 0 : i32
      %dma_start3A_105 = arith.constant 0 : i32
      %dma_start3A_106 = tpu.memref_slice %arg4[%add3A, %add3A_90, %dma_start3A_104, %dma_start3A_105] : memref<32x50x128x128xf32, #tpu.memory_space<hbm>> -> memref<1x1x128x128xf32, #tpu.memory_space<hbm>>
      %dma_start3A_107 = tpu.memref_squeeze %dma_start3A_106 : memref<1x1x128x128xf32, #tpu.memory_space<hbm>> -> memref<128x128xf32, #tpu.memory_space<hbm>>
      tpu.enqueue_dma source(%arg6 : memref<128x128xf32, #tpu.memory_space<vmem>>) target(%dma_start3A_107 : memref<128x128xf32, #tpu.memory_space<hbm>>) target_semaphore(%arg16 : memref<!tpu.dma_semaphore, #tpu.memory_space<semaphore_mem>>)
      %mul3A_108 = arith.constant 5 : i32
      %mul3A_109 = arith.muli %scan3A_85, %mul3A_108 : i32
      %add3A_110 = arith.constant 1 : i32
      %add3A_111 = arith.addi %mul3A_109, %add3A_110 : i32
      %ge3A_112 = arith.constant 1 : i32
      %ge3A_113 = arith.cmpi sge, %add3A_111, %ge3A_112 : i32
      %le3A_114 = arith.constant 45 : i32
      %le3A_115 = arith.cmpi sle, %add3A_111, %le3A_114 : i32
      %and3A_116 = arith.andi %ge3A_113, %le3A_115 : i1
      %convert_element_type3A_117 = arith.extui %and3A_116 : i1 to i32
      %cond3A_118 = arith.constant 0 : i32
      %cond3A_119 = arith.cmpi ne, %convert_element_type3A_117, %cond3A_118 : i32
      scf.if %cond3A_119 {
        %sub3A = arith.constant 1 : i32
        %sub3A_213 = arith.subi %add3A_111, %sub3A : i32
        %dma_wait3A_214 = arith.constant 0 : i32
        %dma_wait3A_215 = arith.constant 0 : i32
        %dma_wait3A_216 = tpu.memref_slice %arg4[%add3A, %sub3A_213, %dma_wait3A_214, %dma_wait3A_215] : memref<32x50x128x128xf32, #tpu.memory_space<hbm>> -> memref<1x1x128x128xf32, #tpu.memory_space<hbm>>
        %dma_wait3A_217 = tpu.memref_squeeze %dma_wait3A_216 : memref<1x1x128x128xf32, #tpu.memory_space<hbm>> -> memref<128x128xf32, #tpu.memory_space<hbm>>
        %dma_wait3A_218 = arith.constant 0 : i32
        %dma_wait3A_219 = arith.constant 0 : i32
        %dma_wait3A_220 = tpu.memref_slice %arg4[%add3A, %sub3A_213, %dma_wait3A_218, %dma_wait3A_219] : memref<32x50x128x128xf32, #tpu.memory_space<hbm>> -> memref<1x1x128x128xf32, #tpu.memory_space<hbm>>
        %dma_wait3A_221 = tpu.memref_squeeze %dma_wait3A_220 : memref<1x1x128x128xf32, #tpu.memory_space<hbm>> -> memref<128x128xf32, #tpu.memory_space<hbm>>
        tpu.wait_dma2 semaphore(%arg16 : memref<!tpu.dma_semaphore, #tpu.memory_space<semaphore_mem>>) src(%arg6 : memref<128x128xf32, #tpu.memory_space<vmem>>) dst(%dma_wait3A_221 : memref<128x128xf32, #tpu.memory_space<hbm>>)
        %sub3A_222 = arith.constant 1 : i32
        %sub3A_223 = arith.subi %add3A_111, %sub3A_222 : i32
        %add3A_224 = arith.constant 5 : i32
        %add3A_225 = arith.addi %sub3A_223, %add3A_224 : i32
        %dma_start3A_226 = arith.constant 0 : i32
        %dma_start3A_227 = tpu.memref_slice %arg5[%add3A_225, %dma_start3A_226] : memref<50x128xi32, #tpu.memory_space<vmem>> -> memref<1x128xi32, #tpu.memory_space<vmem>>
        %dma_start3A_228 = tpu.memref_squeeze %dma_start3A_227 : memref<1x128xi32, #tpu.memory_space<vmem>> -> memref<128xi32, #tpu.memory_space<vmem>>
        %dma_start3A_229 = arith.constant 0 : i32
        %dma_start3A_230 = arith.constant 0 : i32
        %dma_start3A_231 = tpu.memref_slice %arg2[%dma_start3A_229, %dma_start3A_230] : memref<100000x128xf32, #tpu.memory_space<hbm>> -> memref<100000x128xf32, #tpu.memory_space<hbm>>
        tpu.enqueue_indirect_dma source(%dma_start3A_231 : memref<100000x128xf32, #tpu.memory_space<hbm>>) target(%arg6 : memref<128x128xf32, #tpu.memory_space<vmem>>) offsets(%dma_start3A_228 : memref<128xi32, #tpu.memory_space<vmem>>) semaphore(%arg11 : memref<!tpu.dma_semaphore, #tpu.memory_space<semaphore_mem>>)
      } else {
      }
      %dma_wait3A_120 = arith.constant 0 : i32
      %dma_wait3A_121 = tpu.memref_slice %arg5[%add3A_111, %dma_wait3A_120] : memref<50x128xi32, #tpu.memory_space<vmem>> -> memref<1x128xi32, #tpu.memory_space<vmem>>
      %dma_wait3A_122 = tpu.memref_squeeze %dma_wait3A_121 : memref<1x128xi32, #tpu.memory_space<vmem>> -> memref<128xi32, #tpu.memory_space<vmem>>
      %dma_wait3A_123 = arith.constant 0 : i32
      %dma_wait3A_124 = arith.constant 0 : i32
      %dma_wait3A_125 = tpu.memref_slice %arg2[%dma_wait3A_123, %dma_wait3A_124] : memref<100000x128xf32, #tpu.memory_space<hbm>> -> memref<100000x128xf32, #tpu.memory_space<hbm>>
      tpu.wait_indirect_dma semaphore(%arg12 : memref<!tpu.dma_semaphore, #tpu.memory_space<semaphore_mem>>) src(%dma_wait3A_125 : memref<100000x128xf32, #tpu.memory_space<hbm>>) dst(%arg7 : memref<128x128xf32, #tpu.memory_space<vmem>>)
      %dma_start3A_126 = arith.constant 0 : i32
      %dma_start3A_127 = arith.constant 0 : i32
      %dma_start3A_128 = tpu.memref_slice %arg4[%add3A, %add3A_111, %dma_start3A_126, %dma_start3A_127] : memref<32x50x128x128xf32, #tpu.memory_space<hbm>> -> memref<1x1x128x128xf32, #tpu.memory_space<hbm>>
      %dma_start3A_129 = tpu.memref_squeeze %dma_start3A_128 : memref<1x1x128x128xf32, #tpu.memory_space<hbm>> -> memref<128x128xf32, #tpu.memory_space<hbm>>
      %dma_start3A_130 = arith.constant 0 : i32
      %dma_start3A_131 = arith.constant 0 : i32
      %dma_start3A_132 = tpu.memref_slice %arg4[%add3A, %add3A_111, %dma_start3A_130, %dma_start3A_131] : memref<32x50x128x128xf32, #tpu.memory_space<hbm>> -> memref<1x1x128x128xf32, #tpu.memory_space<hbm>>
      %dma_start3A_133 = tpu.memref_squeeze %dma_start3A_132 : memref<1x1x128x128xf32, #tpu.memory_space<hbm>> -> memref<128x128xf32, #tpu.memory_space<hbm>>
      tpu.enqueue_dma source(%arg7 : memref<128x128xf32, #tpu.memory_space<vmem>>) target(%dma_start3A_133 : memref<128x128xf32, #tpu.memory_space<hbm>>) target_semaphore(%arg17 : memref<!tpu.dma_semaphore, #tpu.memory_space<semaphore_mem>>)
      %mul3A_134 = arith.constant 5 : i32
      %mul3A_135 = arith.muli %scan3A_85, %mul3A_134 : i32
      %add3A_136 = arith.constant 2 : i32
      %add3A_137 = arith.addi %mul3A_135, %add3A_136 : i32
      %ge3A_138 = arith.constant 1 : i32
      %ge3A_139 = arith.cmpi sge, %add3A_137, %ge3A_138 : i32
      %le3A_140 = arith.constant 45 : i32
      %le3A_141 = arith.cmpi sle, %add3A_137, %le3A_140 : i32
      %and3A_142 = arith.andi %ge3A_139, %le3A_141 : i1
      %convert_element_type3A_143 = arith.extui %and3A_142 : i1 to i32
      %cond3A_144 = arith.constant 0 : i32
      %cond3A_145 = arith.cmpi ne, %convert_element_type3A_143, %cond3A_144 : i32
      scf.if %cond3A_145 {
        %sub3A = arith.constant 1 : i32
        %sub3A_213 = arith.subi %add3A_137, %sub3A : i32
        %dma_wait3A_214 = arith.constant 0 : i32
        %dma_wait3A_215 = arith.constant 0 : i32
        %dma_wait3A_216 = tpu.memref_slice %arg4[%add3A, %sub3A_213, %dma_wait3A_214, %dma_wait3A_215] : memref<32x50x128x128xf32, #tpu.memory_space<hbm>> -> memref<1x1x128x128xf32, #tpu.memory_space<hbm>>
        %dma_wait3A_217 = tpu.memref_squeeze %dma_wait3A_216 : memref<1x1x128x128xf32, #tpu.memory_space<hbm>> -> memref<128x128xf32, #tpu.memory_space<hbm>>
        %dma_wait3A_218 = arith.constant 0 : i32
        %dma_wait3A_219 = arith.constant 0 : i32
        %dma_wait3A_220 = tpu.memref_slice %arg4[%add3A, %sub3A_213, %dma_wait3A_218, %dma_wait3A_219] : memref<32x50x128x128xf32, #tpu.memory_space<hbm>> -> memref<1x1x128x128xf32, #tpu.memory_space<hbm>>
        %dma_wait3A_221 = tpu.memref_squeeze %dma_wait3A_220 : memref<1x1x128x128xf32, #tpu.memory_space<hbm>> -> memref<128x128xf32, #tpu.memory_space<hbm>>
        tpu.wait_dma2 semaphore(%arg17 : memref<!tpu.dma_semaphore, #tpu.memory_space<semaphore_mem>>) src(%arg7 : memref<128x128xf32, #tpu.memory_space<vmem>>) dst(%dma_wait3A_221 : memref<128x128xf32, #tpu.memory_space<hbm>>)
        %sub3A_222 = arith.constant 1 : i32
        %sub3A_223 = arith.subi %add3A_137, %sub3A_222 : i32
        %add3A_224 = arith.constant 5 : i32
        %add3A_225 = arith.addi %sub3A_223, %add3A_224 : i32
        %dma_start3A_226 = arith.constant 0 : i32
        %dma_start3A_227 = tpu.memref_slice %arg5[%add3A_225, %dma_start3A_226] : memref<50x128xi32, #tpu.memory_space<vmem>> -> memref<1x128xi32, #tpu.memory_space<vmem>>
        %dma_start3A_228 = tpu.memref_squeeze %dma_start3A_227 : memref<1x128xi32, #tpu.memory_space<vmem>> -> memref<128xi32, #tpu.memory_space<vmem>>
        %dma_start3A_229 = arith.constant 0 : i32
        %dma_start3A_230 = arith.constant 0 : i32
        %dma_start3A_231 = tpu.memref_slice %arg2[%dma_start3A_229, %dma_start3A_230] : memref<100000x128xf32, #tpu.memory_space<hbm>> -> memref<100000x128xf32, #tpu.memory_space<hbm>>
        tpu.enqueue_indirect_dma source(%dma_start3A_231 : memref<100000x128xf32, #tpu.memory_space<hbm>>) target(%arg7 : memref<128x128xf32, #tpu.memory_space<vmem>>) offsets(%dma_start3A_228 : memref<128xi32, #tpu.memory_space<vmem>>) semaphore(%arg12 : memref<!tpu.dma_semaphore, #tpu.memory_space<semaphore_mem>>)
      } else {
      }
      %dma_wait3A_146 = arith.constant 0 : i32
      %dma_wait3A_147 = tpu.memref_slice %arg5[%add3A_137, %dma_wait3A_146] : memref<50x128xi32, #tpu.memory_space<vmem>> -> memref<1x128xi32, #tpu.memory_space<vmem>>
      %dma_wait3A_148 = tpu.memref_squeeze %dma_wait3A_147 : memref<1x128xi32, #tpu.memory_space<vmem>> -> memref<128xi32, #tpu.memory_space<vmem>>
      %dma_wait3A_149 = arith.constant 0 : i32
      %dma_wait3A_150 = arith.constant 0 : i32
      %dma_wait3A_151 = tpu.memref_slice %arg2[%dma_wait3A_149, %dma_wait3A_150] : memref<100000x128xf32, #tpu.memory_space<hbm>> -> memref<100000x128xf32, #tpu.memory_space<hbm>>
      tpu.wait_indirect_dma semaphore(%arg13 : memref<!tpu.dma_semaphore, #tpu.memory_space<semaphore_mem>>) src(%dma_wait3A_151 : memref<100000x128xf32, #tpu.memory_space<hbm>>) dst(%arg8 : memref<128x128xf32, #tpu.memory_space<vmem>>)
      %dma_start3A_152 = arith.constant 0 : i32
      %dma_start3A_153 = arith.constant 0 : i32
      %dma_start3A_154 = tpu.memref_slice %arg4[%add3A, %add3A_137, %dma_start3A_152, %dma_start3A_153] : memref<32x50x128x128xf32, #tpu.memory_space<hbm>> -> memref<1x1x128x128xf32, #tpu.memory_space<hbm>>
      %dma_start3A_155 = tpu.memref_squeeze %dma_start3A_154 : memref<1x1x128x128xf32, #tpu.memory_space<hbm>> -> memref<128x128xf32, #tpu.memory_space<hbm>>
      %dma_start3A_156 = arith.constant 0 : i32
      %dma_start3A_157 = arith.constant 0 : i32
      %dma_start3A_158 = tpu.memref_slice %arg4[%add3A, %add3A_137, %dma_start3A_156, %dma_start3A_157] : memref<32x50x128x128xf32, #tpu.memory_space<hbm>> -> memref<1x1x128x128xf32, #tpu.memory_space<hbm>>
      %dma_start3A_159 = tpu.memref_squeeze %dma_start3A_158 : memref<1x1x128x128xf32, #tpu.memory_space<hbm>> -> memref<128x128xf32, #tpu.memory_space<hbm>>
      tpu.enqueue_dma source(%arg8 : memref<128x128xf32, #tpu.memory_space<vmem>>) target(%dma_start3A_159 : memref<128x128xf32, #tpu.memory_space<hbm>>) target_semaphore(%arg18 : memref<!tpu.dma_semaphore, #tpu.memory_space<semaphore_mem>>)
      %mul3A_160 = arith.constant 5 : i32
      %mul3A_161 = arith.muli %scan3A_85, %mul3A_160 : i32
      %add3A_162 = arith.constant 3 : i32
      %add3A_163 = arith.addi %mul3A_161, %add3A_162 : i32
      %ge3A_164 = arith.constant 1 : i32
      %ge3A_165 = arith.cmpi sge, %add3A_163, %ge3A_164 : i32
      %le3A_166 = arith.constant 45 : i32
      %le3A_167 = arith.cmpi sle, %add3A_163, %le3A_166 : i32
      %and3A_168 = arith.andi %ge3A_165, %le3A_167 : i1
      %convert_element_type3A_169 = arith.extui %and3A_168 : i1 to i32
      %cond3A_170 = arith.constant 0 : i32
      %cond3A_171 = arith.cmpi ne, %convert_element_type3A_169, %cond3A_170 : i32
      scf.if %cond3A_171 {
        %sub3A = arith.constant 1 : i32
        %sub3A_213 = arith.subi %add3A_163, %sub3A : i32
        %dma_wait3A_214 = arith.constant 0 : i32
        %dma_wait3A_215 = arith.constant 0 : i32
        %dma_wait3A_216 = tpu.memref_slice %arg4[%add3A, %sub3A_213, %dma_wait3A_214, %dma_wait3A_215] : memref<32x50x128x128xf32, #tpu.memory_space<hbm>> -> memref<1x1x128x128xf32, #tpu.memory_space<hbm>>
        %dma_wait3A_217 = tpu.memref_squeeze %dma_wait3A_216 : memref<1x1x128x128xf32, #tpu.memory_space<hbm>> -> memref<128x128xf32, #tpu.memory_space<hbm>>
        %dma_wait3A_218 = arith.constant 0 : i32
        %dma_wait3A_219 = arith.constant 0 : i32
        %dma_wait3A_220 = tpu.memref_slice %arg4[%add3A, %sub3A_213, %dma_wait3A_218, %dma_wait3A_219] : memref<32x50x128x128xf32, #tpu.memory_space<hbm>> -> memref<1x1x128x128xf32, #tpu.memory_space<hbm>>
        %dma_wait3A_221 = tpu.memref_squeeze %dma_wait3A_220 : memref<1x1x128x128xf32, #tpu.memory_space<hbm>> -> memref<128x128xf32, #tpu.memory_space<hbm>>
        tpu.wait_dma2 semaphore(%arg18 : memref<!tpu.dma_semaphore, #tpu.memory_space<semaphore_mem>>) src(%arg8 : memref<128x128xf32, #tpu.memory_space<vmem>>) dst(%dma_wait3A_221 : memref<128x128xf32, #tpu.memory_space<hbm>>)
        %sub3A_222 = arith.constant 1 : i32
        %sub3A_223 = arith.subi %add3A_163, %sub3A_222 : i32
        %add3A_224 = arith.constant 5 : i32
        %add3A_225 = arith.addi %sub3A_223, %add3A_224 : i32
        %dma_start3A_226 = arith.constant 0 : i32
        %dma_start3A_227 = tpu.memref_slice %arg5[%add3A_225, %dma_start3A_226] : memref<50x128xi32, #tpu.memory_space<vmem>> -> memref<1x128xi32, #tpu.memory_space<vmem>>
        %dma_start3A_228 = tpu.memref_squeeze %dma_start3A_227 : memref<1x128xi32, #tpu.memory_space<vmem>> -> memref<128xi32, #tpu.memory_space<vmem>>
        %dma_start3A_229 = arith.constant 0 : i32
        %dma_start3A_230 = arith.constant 0 : i32
        %dma_start3A_231 = tpu.memref_slice %arg2[%dma_start3A_229, %dma_start3A_230] : memref<100000x128xf32, #tpu.memory_space<hbm>> -> memref<100000x128xf32, #tpu.memory_space<hbm>>
        tpu.enqueue_indirect_dma source(%dma_start3A_231 : memref<100000x128xf32, #tpu.memory_space<hbm>>) target(%arg8 : memref<128x128xf32, #tpu.memory_space<vmem>>) offsets(%dma_start3A_228 : memref<128xi32, #tpu.memory_space<vmem>>) semaphore(%arg13 : memref<!tpu.dma_semaphore, #tpu.memory_space<semaphore_mem>>)
      } else {
      }
      %dma_wait3A_172 = arith.constant 0 : i32
      %dma_wait3A_173 = tpu.memref_slice %arg5[%add3A_163, %dma_wait3A_172] : memref<50x128xi32, #tpu.memory_space<vmem>> -> memref<1x128xi32, #tpu.memory_space<vmem>>
      %dma_wait3A_174 = tpu.memref_squeeze %dma_wait3A_173 : memref<1x128xi32, #tpu.memory_space<vmem>> -> memref<128xi32, #tpu.memory_space<vmem>>
      %dma_wait3A_175 = arith.constant 0 : i32
      %dma_wait3A_176 = arith.constant 0 : i32
      %dma_wait3A_177 = tpu.memref_slice %arg2[%dma_wait3A_175, %dma_wait3A_176] : memref<100000x128xf32, #tpu.memory_space<hbm>> -> memref<100000x128xf32, #tpu.memory_space<hbm>>
      tpu.wait_indirect_dma semaphore(%arg14 : memref<!tpu.dma_semaphore, #tpu.memory_space<semaphore_mem>>) src(%dma_wait3A_177 : memref<100000x128xf32, #tpu.memory_space<hbm>>) dst(%arg9 : memref<128x128xf32, #tpu.memory_space<vmem>>)
      %dma_start3A_178 = arith.constant 0 : i32
      %dma_start3A_179 = arith.constant 0 : i32
      %dma_start3A_180 = tpu.memref_slice %arg4[%add3A, %add3A_163, %dma_start3A_178, %dma_start3A_179] : memref<32x50x128x128xf32, #tpu.memory_space<hbm>> -> memref<1x1x128x128xf32, #tpu.memory_space<hbm>>
      %dma_start3A_181 = tpu.memref_squeeze %dma_start3A_180 : memref<1x1x128x128xf32, #tpu.memory_space<hbm>> -> memref<128x128xf32, #tpu.memory_space<hbm>>
      %dma_start3A_182 = arith.constant 0 : i32
      %dma_start3A_183 = arith.constant 0 : i32
      %dma_start3A_184 = tpu.memref_slice %arg4[%add3A, %add3A_163, %dma_start3A_182, %dma_start3A_183] : memref<32x50x128x128xf32, #tpu.memory_space<hbm>> -> memref<1x1x128x128xf32, #tpu.memory_space<hbm>>
      %dma_start3A_185 = tpu.memref_squeeze %dma_start3A_184 : memref<1x1x128x128xf32, #tpu.memory_space<hbm>> -> memref<128x128xf32, #tpu.memory_space<hbm>>
      tpu.enqueue_dma source(%arg9 : memref<128x128xf32, #tpu.memory_space<vmem>>) target(%dma_start3A_185 : memref<128x128xf32, #tpu.memory_space<hbm>>) target_semaphore(%arg19 : memref<!tpu.dma_semaphore, #tpu.memory_space<semaphore_mem>>)
      %mul3A_186 = arith.constant 5 : i32
      %mul3A_187 = arith.muli %scan3A_85, %mul3A_186 : i32
      %add3A_188 = arith.constant 4 : i32
      %add3A_189 = arith.addi %mul3A_187, %add3A_188 : i32
      %ge3A_190 = arith.constant 1 : i32
      %ge3A_191 = arith.cmpi sge, %add3A_189, %ge3A_190 : i32
      %le3A_192 = arith.constant 45 : i32
      %le3A_193 = arith.cmpi sle, %add3A_189, %le3A_192 : i32
      %and3A_194 = arith.andi %ge3A_191, %le3A_193 : i1
      %convert_element_type3A_195 = arith.extui %and3A_194 : i1 to i32
      %cond3A_196 = arith.constant 0 : i32
      %cond3A_197 = arith.cmpi ne, %convert_element_type3A_195, %cond3A_196 : i32
      scf.if %cond3A_197 {
        %sub3A = arith.constant 1 : i32
        %sub3A_213 = arith.subi %add3A_189, %sub3A : i32
        %dma_wait3A_214 = arith.constant 0 : i32
        %dma_wait3A_215 = arith.constant 0 : i32
        %dma_wait3A_216 = tpu.memref_slice %arg4[%add3A, %sub3A_213, %dma_wait3A_214, %dma_wait3A_215] : memref<32x50x128x128xf32, #tpu.memory_space<hbm>> -> memref<1x1x128x128xf32, #tpu.memory_space<hbm>>
        %dma_wait3A_217 = tpu.memref_squeeze %dma_wait3A_216 : memref<1x1x128x128xf32, #tpu.memory_space<hbm>> -> memref<128x128xf32, #tpu.memory_space<hbm>>
        %dma_wait3A_218 = arith.constant 0 : i32
        %dma_wait3A_219 = arith.constant 0 : i32
        %dma_wait3A_220 = tpu.memref_slice %arg4[%add3A, %sub3A_213, %dma_wait3A_218, %dma_wait3A_219] : memref<32x50x128x128xf32, #tpu.memory_space<hbm>> -> memref<1x1x128x128xf32, #tpu.memory_space<hbm>>
        %dma_wait3A_221 = tpu.memref_squeeze %dma_wait3A_220 : memref<1x1x128x128xf32, #tpu.memory_space<hbm>> -> memref<128x128xf32, #tpu.memory_space<hbm>>
        tpu.wait_dma2 semaphore(%arg19 : memref<!tpu.dma_semaphore, #tpu.memory_space<semaphore_mem>>) src(%arg9 : memref<128x128xf32, #tpu.memory_space<vmem>>) dst(%dma_wait3A_221 : memref<128x128xf32, #tpu.memory_space<hbm>>)
        %sub3A_222 = arith.constant 1 : i32
        %sub3A_223 = arith.subi %add3A_189, %sub3A_222 : i32
        %add3A_224 = arith.constant 5 : i32
        %add3A_225 = arith.addi %sub3A_223, %add3A_224 : i32
        %dma_start3A_226 = arith.constant 0 : i32
        %dma_start3A_227 = tpu.memref_slice %arg5[%add3A_225, %dma_start3A_226] : memref<50x128xi32, #tpu.memory_space<vmem>> -> memref<1x128xi32, #tpu.memory_space<vmem>>
        %dma_start3A_228 = tpu.memref_squeeze %dma_start3A_227 : memref<1x128xi32, #tpu.memory_space<vmem>> -> memref<128xi32, #tpu.memory_space<vmem>>
        %dma_start3A_229 = arith.constant 0 : i32
        %dma_start3A_230 = arith.constant 0 : i32
        %dma_start3A_231 = tpu.memref_slice %arg2[%dma_start3A_229, %dma_start3A_230] : memref<100000x128xf32, #tpu.memory_space<hbm>> -> memref<100000x128xf32, #tpu.memory_space<hbm>>
        tpu.enqueue_indirect_dma source(%dma_start3A_231 : memref<100000x128xf32, #tpu.memory_space<hbm>>) target(%arg9 : memref<128x128xf32, #tpu.memory_space<vmem>>) offsets(%dma_start3A_228 : memref<128xi32, #tpu.memory_space<vmem>>) semaphore(%arg14 : memref<!tpu.dma_semaphore, #tpu.memory_space<semaphore_mem>>)
      } else {
      }
      %dma_wait3A_198 = arith.constant 0 : i32
      %dma_wait3A_199 = tpu.memref_slice %arg5[%add3A_189, %dma_wait3A_198] : memref<50x128xi32, #tpu.memory_space<vmem>> -> memref<1x128xi32, #tpu.memory_space<vmem>>
      %dma_wait3A_200 = tpu.memref_squeeze %dma_wait3A_199 : memref<1x128xi32, #tpu.memory_space<vmem>> -> memref<128xi32, #tpu.memory_space<vmem>>
      %dma_wait3A_201 = arith.constant 0 : i32
      %dma_wait3A_202 = arith.constant 0 : i32
      %dma_wait3A_203 = tpu.memref_slice %arg2[%dma_wait3A_201, %dma_wait3A_202] : memref<100000x128xf32, #tpu.memory_space<hbm>> -> memref<100000x128xf32, #tpu.memory_space<hbm>>
      tpu.wait_indirect_dma semaphore(%arg15 : memref<!tpu.dma_semaphore, #tpu.memory_space<semaphore_mem>>) src(%dma_wait3A_203 : memref<100000x128xf32, #tpu.memory_space<hbm>>) dst(%arg10 : memref<128x128xf32, #tpu.memory_space<vmem>>)
      %dma_start3A_204 = arith.constant 0 : i32
      %dma_start3A_205 = arith.constant 0 : i32
      %dma_start3A_206 = tpu.memref_slice %arg4[%add3A, %add3A_189, %dma_start3A_204, %dma_start3A_205] : memref<32x50x128x128xf32, #tpu.memory_space<hbm>> -> memref<1x1x128x128xf32, #tpu.memory_space<hbm>>
      %dma_start3A_207 = tpu.memref_squeeze %dma_start3A_206 : memref<1x1x128x128xf32, #tpu.memory_space<hbm>> -> memref<128x128xf32, #tpu.memory_space<hbm>>
      %dma_start3A_208 = arith.constant 0 : i32
      %dma_start3A_209 = arith.constant 0 : i32
      %dma_start3A_210 = tpu.memref_slice %arg4[%add3A, %add3A_189, %dma_start3A_208, %dma_start3A_209] : memref<32x50x128x128xf32, #tpu.memory_space<hbm>> -> memref<1x1x128x128xf32, #tpu.memory_space<hbm>>
      %dma_start3A_211 = tpu.memref_squeeze %dma_start3A_210 : memref<1x1x128x128xf32, #tpu.memory_space<hbm>> -> memref<128x128xf32, #tpu.memory_space<hbm>>
      tpu.enqueue_dma source(%arg10 : memref<128x128xf32, #tpu.memory_space<vmem>>) target(%dma_start3A_211 : memref<128x128xf32, #tpu.memory_space<hbm>>) target_semaphore(%arg20 : memref<!tpu.dma_semaphore, #tpu.memory_space<semaphore_mem>>)
      %scan3A_212 = arith.constant 0 : i32
      scf.yield %scan3A_212 : i32
    }
    %scan3A_40 = arith.constant 10 : i32
    %dma_wait3A = arith.constant 0 : i32
    %dma_wait3A_41 = arith.constant 0 : i32
    %dma_wait3A_42 = arith.constant 0 : i32
    %dma_wait3A_43 = tpu.memref_slice %arg4[%add3A, %dma_wait3A, %dma_wait3A_41, %dma_wait3A_42] : memref<32x50x128x128xf32, #tpu.memory_space<hbm>> -> memref<1x1x128x128xf32, #tpu.memory_space<hbm>>
    %dma_wait3A_44 = tpu.memref_squeeze %dma_wait3A_43 : memref<1x1x128x128xf32, #tpu.memory_space<hbm>> -> memref<128x128xf32, #tpu.memory_space<hbm>>
    %dma_wait3A_45 = arith.constant 0 : i32
    %dma_wait3A_46 = arith.constant 0 : i32
    %dma_wait3A_47 = tpu.memref_slice %arg4[%add3A, %dma_wait3A, %dma_wait3A_45, %dma_wait3A_46] : memref<32x50x128x128xf32, #tpu.memory_space<hbm>> -> memref<1x1x128x128xf32, #tpu.memory_space<hbm>>
    %dma_wait3A_48 = tpu.memref_squeeze %dma_wait3A_47 : memref<1x1x128x128xf32, #tpu.memory_space<hbm>> -> memref<128x128xf32, #tpu.memory_space<hbm>>
    tpu.wait_dma2 semaphore(%arg16 : memref<!tpu.dma_semaphore, #tpu.memory_space<semaphore_mem>>) src(%arg6 : memref<128x128xf32, #tpu.memory_space<vmem>>) dst(%dma_wait3A_48 : memref<128x128xf32, #tpu.memory_space<hbm>>)
    %dma_wait3A_49 = arith.constant 1 : i32
    %dma_wait3A_50 = arith.constant 0 : i32
    %dma_wait3A_51 = arith.constant 0 : i32
    %dma_wait3A_52 = tpu.memref_slice %arg4[%add3A, %dma_wait3A_49, %dma_wait3A_50, %dma_wait3A_51] : memref<32x50x128x128xf32, #tpu.memory_space<hbm>> -> memref<1x1x128x128xf32, #tpu.memory_space<hbm>>
    %dma_wait3A_53 = tpu.memref_squeeze %dma_wait3A_52 : memref<1x1x128x128xf32, #tpu.memory_space<hbm>> -> memref<128x128xf32, #tpu.memory_space<hbm>>
    %dma_wait3A_54 = arith.constant 0 : i32
    %dma_wait3A_55 = arith.constant 0 : i32
    %dma_wait3A_56 = tpu.memref_slice %arg4[%add3A, %dma_wait3A_49, %dma_wait3A_54, %dma_wait3A_55] : memref<32x50x128x128xf32, #tpu.memory_space<hbm>> -> memref<1x1x128x128xf32, #tpu.memory_space<hbm>>
    %dma_wait3A_57 = tpu.memref_squeeze %dma_wait3A_56 : memref<1x1x128x128xf32, #tpu.memory_space<hbm>> -> memref<128x128xf32, #tpu.memory_space<hbm>>
    tpu.wait_dma2 semaphore(%arg17 : memref<!tpu.dma_semaphore, #tpu.memory_space<semaphore_mem>>) src(%arg7 : memref<128x128xf32, #tpu.memory_space<vmem>>) dst(%dma_wait3A_57 : memref<128x128xf32, #tpu.memory_space<hbm>>)
    %dma_wait3A_58 = arith.constant 2 : i32
    %dma_wait3A_59 = arith.constant 0 : i32
    %dma_wait3A_60 = arith.constant 0 : i32
    %dma_wait3A_61 = tpu.memref_slice %arg4[%add3A, %dma_wait3A_58, %dma_wait3A_59, %dma_wait3A_60] : memref<32x50x128x128xf32, #tpu.memory_space<hbm>> -> memref<1x1x128x128xf32, #tpu.memory_space<hbm>>
    %dma_wait3A_62 = tpu.memref_squeeze %dma_wait3A_61 : memref<1x1x128x128xf32, #tpu.memory_space<hbm>> -> memref<128x128xf32, #tpu.memory_space<hbm>>
    %dma_wait3A_63 = arith.constant 0 : i32
    %dma_wait3A_64 = arith.constant 0 : i32
    %dma_wait3A_65 = tpu.memref_slice %arg4[%add3A, %dma_wait3A_58, %dma_wait3A_63, %dma_wait3A_64] : memref<32x50x128x128xf32, #tpu.memory_space<hbm>> -> memref<1x1x128x128xf32, #tpu.memory_space<hbm>>
    %dma_wait3A_66 = tpu.memref_squeeze %dma_wait3A_65 : memref<1x1x128x128xf32, #tpu.memory_space<hbm>> -> memref<128x128xf32, #tpu.memory_space<hbm>>
    tpu.wait_dma2 semaphore(%arg18 : memref<!tpu.dma_semaphore, #tpu.memory_space<semaphore_mem>>) src(%arg8 : memref<128x128xf32, #tpu.memory_space<vmem>>) dst(%dma_wait3A_66 : memref<128x128xf32, #tpu.memory_space<hbm>>)
    %dma_wait3A_67 = arith.constant 3 : i32
    %dma_wait3A_68 = arith.constant 0 : i32
    %dma_wait3A_69 = arith.constant 0 : i32
    %dma_wait3A_70 = tpu.memref_slice %arg4[%add3A, %dma_wait3A_67, %dma_wait3A_68, %dma_wait3A_69] : memref<32x50x128x128xf32, #tpu.memory_space<hbm>> -> memref<1x1x128x128xf32, #tpu.memory_space<hbm>>
    %dma_wait3A_71 = tpu.memref_squeeze %dma_wait3A_70 : memref<1x1x128x128xf32, #tpu.memory_space<hbm>> -> memref<128x128xf32, #tpu.memory_space<hbm>>
    %dma_wait3A_72 = arith.constant 0 : i32
    %dma_wait3A_73 = arith.constant 0 : i32
    %dma_wait3A_74 = tpu.memref_slice %arg4[%add3A, %dma_wait3A_67, %dma_wait3A_72, %dma_wait3A_73] : memref<32x50x128x128xf32, #tpu.memory_space<hbm>> -> memref<1x1x128x128xf32, #tpu.memory_space<hbm>>
    %dma_wait3A_75 = tpu.memref_squeeze %dma_wait3A_74 : memref<1x1x128x128xf32, #tpu.memory_space<hbm>> -> memref<128x128xf32, #tpu.memory_space<hbm>>
    tpu.wait_dma2 semaphore(%arg19 : memref<!tpu.dma_semaphore, #tpu.memory_space<semaphore_mem>>) src(%arg9 : memref<128x128xf32, #tpu.memory_space<vmem>>) dst(%dma_wait3A_75 : memref<128x128xf32, #tpu.memory_space<hbm>>)
    %dma_wait3A_76 = arith.constant 4 : i32
    %dma_wait3A_77 = arith.constant 0 : i32
    %dma_wait3A_78 = arith.constant 0 : i32
    %dma_wait3A_79 = tpu.memref_slice %arg4[%add3A, %dma_wait3A_76, %dma_wait3A_77, %dma_wait3A_78] : memref<32x50x128x128xf32, #tpu.memory_space<hbm>> -> memref<1x1x128x128xf32, #tpu.memory_space<hbm>>
    %dma_wait3A_80 = tpu.memref_squeeze %dma_wait3A_79 : memref<1x1x128x128xf32, #tpu.memory_space<hbm>> -> memref<128x128xf32, #tpu.memory_space<hbm>>
    %dma_wait3A_81 = arith.constant 0 : i32
    %dma_wait3A_82 = arith.constant 0 : i32
    %dma_wait3A_83 = tpu.memref_slice %arg4[%add3A, %dma_wait3A_76, %dma_wait3A_81, %dma_wait3A_82] : memref<32x50x128x128xf32, #tpu.memory_space<hbm>> -> memref<1x1x128x128xf32, #tpu.memory_space<hbm>>
    %dma_wait3A_84 = tpu.memref_squeeze %dma_wait3A_83 : memref<1x1x128x128xf32, #tpu.memory_space<hbm>> -> memref<128x128xf32, #tpu.memory_space<hbm>>
    tpu.wait_dma2 semaphore(%arg20 : memref<!tpu.dma_semaphore, #tpu.memory_space<semaphore_mem>>) src(%arg10 : memref<128x128xf32, #tpu.memory_space<vmem>>) dst(%dma_wait3A_84 : memref<128x128xf32, #tpu.memory_space<hbm>>)
    return
  }
}

</mosaic_0001>

<sc_bundles>
// kernel: kernel.3.cloned.1.call-start
scs
__scs_entry_jumppad:
0x0: {  	(pc) =	sbr.rel $0x88, $3  }
0x1: {  	(tag) =	ssettag $0x0;
	lr =	simm.s32 $0x1  }
0x2: {  	[smem:$0x3F9F] =	sst lr;
	_ =	strace $0xD0000000  }
0x3: {  	_ = 	snop  }
0x4: {  	_ = 	snop  }
0x5: {  	_ = 	snop  }
0x6: {  	_ = 	snop  }
0x7: {  	_ = 	snop  }
__scs_overlays_trampoline_lowered:
0x8: {  	[smem:$0x3FAE] =	sst s0  }
0x9: {  	[smem:$0x3FAF] =	sst s1  }
0xa: {  	[smem:$0x3FB0] =	sst s2  }
0xb: {  	[smem:$0x3FB1] =	sst s3  }
0xc: {  	[smem:$0x3FB2] =	sst s4  }
0xd: {  	[smem:$0x3FB3] =	sst s5  }
0xe: {  	[smem:$0x3FB4] =	sst s6  }
0xf: {  	[smem:$0x3FB5] =	sst s7  }
0x10: {  	[smem:$0x3FB6] =	sst s8  }
0x11: {  	[smem:$0x3FB7] =	sst s9;
	s0 =	simm.s32 @!p0 $0x0  }
0x12: {  	s1 =	sld [smem:$0x3F9D];
	s0 =	simm.s32 @p0 $0x1  }
0x13: {  	[smem:$0x3FB8] =	sst s0;
	s0 =	simm.s32 @!p1 $0x0  }
0x14: {  	s2 =	sld [smem:$0x3F9C];
	s0 =	simm.s32 @p1 $0x1  }
0x15: {  	[smem:$0x3FB9] =	sst s0;
	s0 =	simm.s32 @!p2 $0x0  }
0x16: {  	s3 =	sld [smem:$0x3FDB];
	s0 =	simm.s32 @p2 $0x1  }
0x17: {  	s4 =	simm.s32 $0x1BF5;
	[smem:$0x3FBB] =	sst s0  }
0x18: {  	s0 =	sld [smem:$0x3F9E];
	_ =	swait.ge [sflag:s4], $0x0  }
0x19: {  	s7 =	sld [smem:$0x3F9F]  }
0x1a: {  	s8 =	sadd.s32 $0xFFFFE003, lr  }
0x1b: {  	s9 =	sadd.s32 $0xFFFFFEF7, lr;
	s5 =	simm.s32 $0xFFFFFFFF;
	p2 =	slt.u32 s8, $0xFFFFF086  }
0x1c: {  	p1 =	slt.u32 s9, $0xF7A;
	s5 =	simm.s32 @!p2 $0x0  }
0x1d: {  	s5 =	simm.s32 @p1 $0x1;
	p0 =	seq.s32 s7, s2  }
0x1e: {  	s7 =	smul.u32 @!p0 $0xF7A, s2;
	p2 =	seq.s32 @!p0 s5, $0x0  }
0x1f: {  	s9 =	smul.u32 $0xF7A, s1;
	s8 =	simm.s32 @!p0 $0x1BF5;
	p2 =	por !p2, p0  }
0x20: {  	[sflag:s8] =	ssyncset.s32 @!p0 $0xFFFFF086;
	s6 =	sadd.s32 @!p0 s3, s7;
	s7 =	simm.s32 @!p0 $0x108  }
0x21: {  	s3 =	sadd.s32 s3, s9;
	s6 =	sadd.s32 @!p0 $0x88, s6;
	s7 =	simm.s32 @p2 $0x1082  }
0x22: {  	[simem:s7], [sflag:s8] =	dma.local @!p0 [hbm:s6], $0xF7A  }
0x23: {  	s9 =	sor.u32 $0xD0000000, s2;
	s6 =	simm.s32 $0x108;
	_ =	swait.ge @!p0 [sflag:s8], $0x0  }
0x24: {  	s3 =	sadd.s32 $0x88, s3;
	s6 =	simm.s32 @!p1 $0x1082;
	[sflag:s4] =	ssyncset.s32 $0xFFFFF086  }
0x25: {  	[simem:s6], [sflag:s4] =	dma.local [hbm:s3], $0xF7A  }
0x26: {  	[smem:$0x3F9F] =	sst s1;
	(tag) =	ssettag s2;
	_ =	strace s9  }
0x27: {  	s1 =	sld [smem:$0x3FAF]  }
0x28: {  	s2 =	sld [smem:$0x3FB0]  }
0x29: {  	s4 =	sld [smem:$0x3FB2]  }
0x2a: {  	p0 =	seq.s32 s5, $0x0;
	s5 =	sld [smem:$0x3FB3]  }
0x2b: {  	s6 =	sld [smem:$0x3FB4]  }
0x2c: {  	s7 =	sld [smem:$0x3FB5]  }
0x2d: {  	s3 =	simm.s32 $0x108;
	s8 =	sld [smem:$0x3FB6]  }
0x2e: {  	s3 =	simm.s32 @!p0 $0x1082;
	s9 =	sld [smem:$0x3FB7]  }
0x2f: {  	lr =	sadd.s32 s0, s3;
	s0 =	sld [smem:$0x3FAE]  }
0x30: {  	s3 =	sld [smem:$0x3FB1]  }
0x31: {  	[smem:$0x3FBA] =	sst s10  }
0x32: {  	s10 =	sld [smem:$0x3FB8];
	_ =	sdelay $0x3  }
0x33: {  	p0 =	seq.s32 s10, $0x1;
	s10 =	sld [smem:$0x3FBA];
	_ =	sdelay $0x3  }
0x34: {  	[smem:$0x3FBA] =	sst s10  }
0x35: {  	s10 =	sld [smem:$0x3FB9];
	_ =	sdelay $0x3  }
0x36: {  	p1 =	seq.s32 s10, $0x1;
	s10 =	sld [smem:$0x3FBA];
	_ =	sdelay $0x3  }
0x37: {  	[smem:$0x3FBA] =	sst s10  }
0x38: {  	s10 =	sld [smem:$0x3FBB]  }
0x39: {  	_ = 	snop;
	(pc) =	sbr.ind lr, $3  }
0x3a: {  	_ = 	snop  }
0x3b: {  	_ = 	snop  }
0x3c: {  	p2 =	seq.s32 s10, $0x1;
	s10 =	sld [smem:$0x3FBA]  }
0x3d: {  	_ =	shalt  }
0x3e: {  	_ =	shalt  }
0x3f: {  	_ =	shalt  }
0x40: {  	_ =	shalt  }
0x41: {  	_ =	shalt  }
0x42: {  	_ =	shalt  }
0x43: {  	_ =	shalt  }
0x44: {  	_ =	shalt  }
0x45: {  	_ =	shalt  }
0x46: {  	_ =	shalt  }
0x47: {  	_ =	shalt  }
0x48: {  	_ =	shalt  }
0x49: {  	_ =	shalt  }
0x4a: {  	_ =	shalt  }
0x4b: {  	_ =	shalt  }
0x4c: {  	_ =	shalt  }
0x4d: {  	_ =	shalt  }
0x4e: {  	_ =	shalt  }
0x4f: {  	_ =	shalt  }
0x50: {  	_ =	shalt  }
0x51: {  	_ =	shalt  }
0x52: {  	_ =	shalt  }
0x53: {  	_ =	shalt  }
0x54: {  	_ =	shalt  }
0x55: {  	_ =	shalt  }
0x56: {  	_ =	shalt  }
0x57: {  	_ =	shalt  }
0x58: {  	_ =	shalt  }
0x59: {  	_ =	shalt  }
0x5a: {  	_ =	shalt  }
0x5b: {  	_ =	shalt  }
0x5c: {  	_ =	shalt  }
0x5d: {  	_ =	shalt  }
0x5e: {  	_ =	shalt  }
0x5f: {  	_ =	shalt  }
0x60: {  	_ =	shalt  }
0x61: {  	_ =	shalt  }
0x62: {  	_ =	shalt  }
0x63: {  	_ =	shalt  }
0x64: {  	_ =	shalt  }
0x65: {  	_ =	shalt  }
0x66: {  	_ =	shalt  }
0x67: {  	_ =	shalt  }
0x68: {  	_ =	shalt  }
0x69: {  	_ =	shalt  }
0x6a: {  	_ =	shalt  }
0x6b: {  	_ =	shalt  }
0x6c: {  	_ =	shalt  }
0x6d: {  	_ =	shalt  }
0x6e: {  	_ =	shalt  }
0x6f: {  	_ =	shalt  }
0x70: {  	_ =	shalt  }
0x71: {  	_ =	shalt  }
0x72: {  	_ =	shalt  }
0x73: {  	_ =	shalt  }
0x74: {  	_ =	shalt  }
0x75: {  	_ =	shalt  }
0x76: {  	_ =	shalt  }
0x77: {  	_ =	shalt  }
0x78: {  	_ =	shalt  }
0x79: {  	_ =	shalt  }
0x7a: {  	_ =	shalt  }
0x7b: {  	_ =	shalt  }
0x7c: {  	_ =	shalt  }
0x7d: {  	_ =	shalt  }
0x7e: {  	_ =	shalt  }
0x7f: {  	_ =	shalt  }
0x80: {  	_ =	shalt  }
0x81: {  	_ =	shalt  }
0x82: {  	_ =	shalt  }
0x83: {  	_ =	shalt  }
0x84: {  	_ =	shalt  }
0x85: {  	_ =	shalt  }
0x86: {  	_ =	shalt  }
0x87: {  	_ =	shalt  }
.Lfunc_end0:
.L_simem_size_0:
called_computation_lowered:
.L_overlay_start_0:
0x88: {  	s2 =	sld [smem:$0x3FD9]  }
0x89: {  	s3 =	sld [smem:$0x3FFE];
	_ =	sdelay $0x1  }
0x8a: {  	s1 =	srdreg.scid  }
0x8b: {  	s0 =	sand.u32 $0x1, s1  }
0x8c: {  	s17 =	sshll.u32 s0, $0xA;
	s2 =	sadd.s32 s3, s2  }
0x8d: {  	s2 =	sadd.s32 s2, s17  }
0x8e: {  	[smem:$0x3FC6] =	sst s2  }
0x8f: {  	_ = 	snop  }
0x90: {  	s2 =	sld [smem:$0x3FC8]  }
0x91: {  	s18 =	sld [smem:$0x3FD0];
	(tm) =	ssettm $0x1  }
0x92: {  	s4 =	sld [smem:$0x3FFB];
	_ =	sdelay $0x3  }
0x93: {  	_ =	strace s4  }
0x94: {  	s4 =	sld [smem:$0x3FFC];
	_ =	sdelay $0x3  }
0x95: {  	_ =	strace s4  }
0x96: {  	s4 =	sld [smem:$0x3FFD];
	_ =	sdelay $0x3  }
0x97: {  	_ =	strace s4  }
0x98: {  	_ =	strace $0x8FFFFFFF  }
0x99: {  	s19 =	sld [smem:$0x3FDB];
	_ =	sdelay $0x1  }
0x9a: {  	s5 =	simm.s32 $_scs_section_size  }
0x9b: {  	s6 =	simm.s32 $_size__tile_overlayer_lowered;
	s7 =	simm.s32 $_tile_overlayer_lowered  }
0x9c: {  	s22 =	simm.s32 $0x1BFF;
	s21 =	sshll.u32 s7, $0x1;
	s4 =	sadd.s32 s5, s19  }
0x9d: {  	s8 =	simm.s32 $0x0;
	s20 =	sshll.u32 s6, $0x1;
	s6 =	sadd.s32 s21, s4  }
0x9e: {  	[timem:s8], [sflag:s22] =	dma.local [hbm:s6], s20  }
0x9f: {  	_ =	swait.ge [sflag:s22], s20  }
0xa0: {  	s5 =	ssub.s32 $0x0, s20;
	[sflag:s22] =	ssyncset.done $0x0  }
0xa1: {  	[sflag:s22] =	ssyncadd.s32 s5;
	_ =	sdelay $0x1  }
0xa2: {  	s23 =	simm.s32 $0x1B8B  }
0xa3: {  	_ =	swait.ge [sflag:s23], $0x1  }
0xa4: {  	[sflag:s23] =	ssyncset.done $0x0  }
0xa5: {  	s25 =	simm.s32 $0x1B8E;
	s24 =	sld [smem:$0x3FFE];
	[sflag:s23] =	ssyncadd.s32 $0xFFFFFFFF  }
0xa6: {  	s26 =	simm.s32 $execute0_lowered;
	[smem:$0x3FD2] =	sst s25  }
0xa7: {  	s6 =	sshll.u32 s26, $0x1;
	_ =	strace $0x80000046;
	[dreg:$0x1] =	wrdreg $0xFFFFFFFF  }
0xa8: {  	s28 =	simm.s32 $_size_execute0_lowered;
	s4 =	sadd.s32 s4, s6;
	[dreg:$0x0] =	wrdreg $0x0  }
0xa9: {  	s6 =	sshll.u32 s28, $0x1;
	[dreg:$0x2] =	wrdreg s4  }
0xaa: {  	[dreg:$0x3] =	wrdreg s6  }
0xab: {  	[dreg:$0x4] =	wrdreg $0xC0  }
0xac: {  	_ =	task [dreg:s8], $0x5FFFF  }
0xad: {  	[dreg:$0x1] =	wrdreg $0xFFFFFFFF  }
0xae: {  	[dreg:$0x0] =	wrdreg $0x60  }
0xaf: {  	[dreg:$0x2] =	wrdreg s2  }
0xb0: {  	[dreg:$0x3] =	wrdreg s24  }
0xb1: {  	[dreg:$0x4] =	wrdreg s18  }
0xb2: {  	[dreg:$0x5] =	wrdreg $0x9  }
0xb3: {  	_ =	task.clear_ibuf [dreg:s8], $0x6FFFF;
	_ =	strace $0x90000046  }
0xb4: {  	s29 =	simm.s32 $0x9;
	_ =	strace $0x80000048  }
0xb5: {  	_ =	swait.ge [sflag:s29], $0x1  }
0xb6: {  	[sflag:s29] =	ssyncadd.s32 $0xFFFFFFFF  }
0xb7: {  	_ =	strace $0x90000048  }
0xb8: {  	_ =	sfence  }
0xb9: {  	s30 =	sld [smem:$0x0];
	_ =	sdelay $0x2  }
0xba: {  	s31 =	sshll.u32 s1, $0xD;
	s1 =	sshrl.u32 s1, $0x2  }
0xbb: {  	s3 =	sand.u32 $0x4000, s31;
	s1 =	sadd.s32 s1, s30  }
0xbc: {  	s0 =	sor.u32 s3, s0;
	s1 =	sshll.u32 s1, $0x11  }
0xbd: {  	s0 =	sor.u32 s1, s0  }
0xbe: {  	s0 =	sadd.s32 $0x8F2B, s0  }
0xbf: {  	[sflag:s0] =	ssyncadd.remote.s32 $0x1  }
0xc0: {  	_ =	sfence.sel $0xFFFF  }
0xc1: {  	[dreg:$0x0] =	wrdreg $0xFFFFFFFF;
	(pc) =	sbr.abs _section_cstart, $3  }
0xc2: {  	[dreg:$0x1] =	wrdreg $0xFFFFFFFF  }
0xc3: {  	_ =	task.clear_ibuf [dreg:s8], $0x2FFFF;
	_ =	strace $0x9FFFFFFF  }
0xc4: {  	(tm) =	ssettm $0x7FFFFFFF  }
0xc5: {  	_ =	shalt  }
tec
execute0_lowered:
.L_overlay_start_1:
0x0: {  	(tag) =	ssettag $0x1  }
0x1: {  	s1 =	rddreg [dreg:$0x0]  }
0x2: {  	s0 =	rddreg [dreg:$0x1];
	s2 =	srdreg.scid  }
0x3: {  	s7 =	stileid.u32;
	s5 =	rddreg [dreg:$0x2];
	s3 =	simm.s32 $0x0  }
0x4: {  	s2 =	sand.u32 $0x1, s2;
	s4 =	sshll.u32 s7, $0x1;
	s7 =	smul.u32 $0x190000, s7  }
0x5: {  	s4 =	sor.u32 s2, s4;
	s18 =	ssub.s32 $0x2, s2;
	s2 =	smul.u32 $0xC8000, s2  }
0x6: {  	s12 =	simm.s32 $0x80;
	s13 =	simm.s32 $0x1C00;
	s6 =	smul.u32 $0x380, s4  }
0x7: {  	s16 =	simm.s32 $0x9C00;
	[smem:$0x7FF] =	sst s3;
	s4 =	smul.u32 $0xC8000, s4  }
0x8: {  	s30 =	simm.s32 $0x0;
	_ =	strace $0x80000047;
	s8 =	sshrl.u32 s18, $0x1  }
0x9: {  	s2 =	sadd.s32 s2, s7;
	s0 =	sadd.s32 s6, s0;
	s4 =	sshrl.u32 s4, $0x3  }
0xa: {  	s6 =	ssub.s32 s18, s8;
	s22 =	sadd.s32 $0x10000, s2;
	s24 =	sadd.s32 $0xC000, s2  }
0xb: {  	s26 =	sadd.s32 $0x8000, s2;
	s29 =	sor.u32 $0x4000, s2;
	s2 =	sshrl.u32 s2, $0x3  }
0xc: {  	s0 =	sadd.s32 $0x400, s0;
	s19 =	sadd.s32 s5, s4;
	s20 =	smax.u32 s6, $0x1  }
0xd: {  	s23 =	sshrl.u32 s22, $0x3;
	s25 =	sshrl.u32 s24, $0x3;
	s28 =	sshrl.u32 s26, $0x3  }
0xe: {  	s31 =	sshrl.u32 s29, $0x3;
	s10 =	sadd.s32 s2, s5;
	[dreg:$0x6] =	wrdreg s0  }
0xf: {  	s22 =	simm.s32 $0x3;
	[dreg:$0x7] =	wrdreg s20;
	s21 =	sadd.s32 $0x17000, s19  }
0x10: {  	s0 =	sadd.s32 $0x18000, s19;
	s8 =	sadd.s32 s28, s5;
	[dreg:$0x4] =	wrdreg s21  }
0x11: {  	s9 =	sadd.s32 s31, s5;
	[dreg:$0x5] =	wrdreg s0;
	s0 =	sadd.s32 s23, s5  }
0x12: {  	s20 =	simm.s32 $0x11C00;
	[dreg:$0x8] =	wrdreg s0;
	s0 =	sadd.s32 s25, s5  }
0x13: {  	s21 =	simm.s32 $0x1;
	s23 =	simm.s32 $0x5;
	[dreg:$0x9] =	wrdreg s0  }
.LBB2_1:
0x14: {  	s0 =	rddreg [dreg:$0x6];
	s24 =	simm.s32 $0xB  }
0x15: {  	[tilespmem:s3], [sflag:$0xB] =	stream.linear.gather [hbm4b:s0+s3], $0x1900, $0x38;
	[tilespmem:$0x15C00] =	vst v63  }
0x16: {  	_ =	swait.ge [sflag:s24], $0x1900  }
0x17: {  	[sflag:s24] =	ssyncset.done $0x0  }
0x18: {  	[sflag:s24] =	ssyncadd.s32 $0xFFFFE700  }
0x19: {  	[tilespmem:s13], [sflag:$0x1] =	stream.indirect.gather [hbm4b:s1+s12], $0x80, s3, s12, $0xb8;
	[tilespmem:$0x15C00] =	vst v63  }
0x1a: {  	s25 =	simm.s32 $0x5C00  }
0x1b: {  	[tilespmem:s25], [sflag:$0x2] =	stream.indirect.gather [hbm4b:s1+s12], $0x80, s12, s12, $0xb8;
	[tilespmem:$0x15C00] =	vst v63  }
0x1c: {  	s26 =	simm.s32 $0x100  }
0x1d: {  	[tilespmem:s16], [sflag:$0x3] =	stream.indirect.gather [hbm4b:s1+s12], $0x80, s26, s12, $0xb8;
	[tilespmem:$0x15C00] =	vst v63  }
0x1e: {  	s28 =	simm.s32 $0x180;
	s2 =	simm.s32 $0xDC00;
	p0 =	por $0x1, $0x1  }
0x1f: {  	[tilespmem:s2], [sflag:$0x4] =	stream.indirect.gather [hbm4b:s1+s12], $0x80, s28, s12, $0xb8;
	[tilespmem:$0x15C00] =	vst v63  }
0x20: {  	s29 =	simm.s32 $0x200;
	s0 =	simm.s32 @!p0 $0xA  }
0x21: {  	[tilespmem:s20], [sflag:$0x5] =	stream.indirect.gather [hbm4b:s1+s12], $0x80, s29, s12, $0xb8;
	[tilespmem:$0x15C00] =	vst v63  }
0x22: {  	_ =	swait.ge @!p0 [sflag:s0], $0x4000  }
0x23: {  	s5 =	simm.s32 @!p0 $0x200;
	[sflag:s0] =	ssyncset.done @!p0 $0x0  }
0x24: {  	s6 =	simm.s32 @!p0 $0x80;
	s2 =	simm.s32 @!p0 $0x11C00;
	[sflag:s0] =	ssyncadd.s32 @!p0 $0xFFFFC000  }
0x25: {  	[tilespmem:s2], [sflag:$0x5] =	stream.indirect.gather @!p0 [hbm4b:s1+s6], $0x80, s5, s6, $0xb8;
	[tilespmem:$0x15C00] =	vst v63  }
0x26: {  	_ =	swait.ge [sflag:s21], $0x4000  }
0x27: {  	p0 =	por $0x0, $0x0;
	[sflag:s21] =	ssyncset.done $0x0  }
0x28: {  	s0 =	simm.s32 @p0 $0x2;
	[sflag:s21] =	ssyncadd.s32 $0xFFFFC000  }
0x29: {  	[hbm4b:s10+s3] =	stream.linear.scatter [tilespmem:s13], [sflag:$0x6], $0x4000, $0x38;
	[tilespmem:$0x15C00] =	vst v63  }
0x2a: {  	_ =	swait.ge @p0 [sflag:s0], $0x4000  }
0x2b: {  	s5 =	simm.s32 @p0 $0x5C00;
	s6 =	simm.s32 @!p0 $0x6;
	[sflag:s0] =	ssyncset.done @p0 $0x0  }
0x2c: {  	s2 =	rddreg [dreg:$0x4];
	[sflag:s0] =	ssyncadd.s32 @p0 $0xFFFFC000;
	s0 =	simm.s32 @p0 $0x0  }
0x2d: {  	[hbm4b:s2+s0] =	stream.linear.scatter @p0 [tilespmem:s5], [sflag:$0x7], $0x4000, $0x38;
	[tilespmem:$0x15C00] =	vst v63  }
0x2e: {  	_ =	swait.ge @!p0 [sflag:s6], $0x4000  }
0x2f: {  	s11 =	simm.s32 @!p0 $0x1C00;
	s2 =	simm.s32 @!p0 $0x280;
	[sflag:s6] =	ssyncset.done @!p0 $0x0  }
0x30: {  	s5 =	simm.s32 @!p0 $0x80;
	[sflag:s6] =	ssyncadd.s32 @!p0 $0xFFFFC000;
	s6 =	simm.s32 @!p0 $0x2  }
0x31: {  	[tilespmem:s11], [sflag:$0x1] =	stream.indirect.gather @!p0 [hbm4b:s1+s5], $0x80, s2, s5, $0xb8;
	[tilespmem:$0x15C00] =	vst v63  }
0x32: {  	_ =	swait.ge @!p0 [sflag:s6], $0x4000  }
0x33: {  	s2 =	simm.s32 @!p0 $0x0;
	[sflag:s6] =	ssyncset.done @!p0 $0x0  }
0x34: {  	s11 =	simm.s32 @!p0 $0x5C00;
	[sflag:s6] =	ssyncadd.s32 @!p0 $0xFFFFC000;
	s6 =	simm.s32 @!p0 $0x7  }
0x35: {  	[hbm4b:s9+s2] =	stream.linear.scatter @!p0 [tilespmem:s11], [sflag:$0x7], $0x4000, $0x38;
	[tilespmem:$0x15C00] =	vst v63  }
0x36: {  	_ =	swait.ge @!p0 [sflag:s6], $0x4000  }
0x37: {  	[sflag:s6] =	ssyncset.done @!p0 $0x0  }
0x38: {  	s14 =	simm.s32 @!p0 $0x300;
	[sflag:s6] =	ssyncadd.s32 @!p0 $0xFFFFC000  }
0x39: {  	[tilespmem:s11], [sflag:$0x2] =	stream.indirect.gather @!p0 [hbm4b:s1+s5], $0x80, s14, s5, $0xb8;
	[tilespmem:$0x15C00] =	vst v63  }
0x3a: {  	_ =	swait.ge [sflag:s22], $0x4000  }
0x3b: {  	[sflag:s22] =	ssyncset.done $0x0  }
0x3c: {  	s6 =	simm.s32 @p0 $0x4;
	[sflag:s22] =	ssyncadd.s32 $0xFFFFC000  }
0x3d: {  	[hbm4b:s8+s3] =	stream.linear.scatter [tilespmem:s16], [sflag:$0x8], $0x4000, $0x38;
	[tilespmem:$0x15C00] =	vst v63  }
0x3e: {  	_ =	swait.ge @p0 [sflag:s6], $0x4000  }
0x3f: {  	s14 =	simm.s32 @!p0 $0x8;
	[sflag:s6] =	ssyncset.done @p0 $0x0  }
0x40: {  	s11 =	rddreg [dreg:$0x5];
	[sflag:s6] =	ssyncadd.s32 @p0 $0xFFFFC000;
	s6 =	simm.s32 @p0 $0xDC00  }
0x41: {  	[hbm4b:s11+s0] =	stream.linear.scatter @p0 [tilespmem:s6], [sflag:$0x9], $0x4000, $0x38;
	[tilespmem:$0x15C00] =	vst v63  }
0x42: {  	_ =	swait.ge @!p0 [sflag:s14], $0x4000  }
0x43: {  	s0 =	simm.s32 @!p0 $0x380;
	[sflag:s14] =	ssyncset.done @!p0 $0x0  }
0x44: {  	s6 =	simm.s32 @!p0 $0x9C00;
	s11 =	simm.s32 @!p0 $0x4;
	[sflag:s14] =	ssyncadd.s32 @!p0 $0xFFFFC000  }
0x45: {  	[tilespmem:s6], [sflag:$0x3] =	stream.indirect.gather @!p0 [hbm4b:s1+s5], $0x80, s0, s5, $0xb8;
	[tilespmem:$0x15C00] =	vst v63  }
0x46: {  	_ =	swait.ge @!p0 [sflag:s11], $0x4000  }
0x47: {  	s6 =	simm.s32 @!p0 $0xDC00;
	[sflag:s11] =	ssyncset.done @!p0 $0x0  }
0x48: {  	s4 =	rddreg [dreg:$0x9];
	[sflag:s11] =	ssyncadd.s32 @!p0 $0xFFFFC000;
	s11 =	simm.s32 @!p0 $0x9  }
0x49: {  	[hbm4b:s4+s2] =	stream.linear.scatter @!p0 [tilespmem:s6], [sflag:$0x9], $0x4000, $0x38;
	[tilespmem:$0x15C00] =	vst v63  }
0x4a: {  	_ =	swait.ge @!p0 [sflag:s11], $0x4000  }
0x4b: {  	s17 =	simm.s32 $0xA00;
	[sflag:s11] =	ssyncset.done @!p0 $0x0  }
0x4c: {  	s18 =	simm.s32 $0x1400;
	s2 =	simm.s32 @!p0 $0x400;
	[sflag:s11] =	ssyncadd.s32 @!p0 $0xFFFFC000  }
0x4d: {  	[tilespmem:s6], [sflag:$0x4] =	stream.indirect.gather @!p0 [hbm4b:s1+s5], $0x80, s2, s5, $0xb8;
	[tilespmem:$0x15C00] =	vst v63  }
0x4e: {  	s15 =	sadd.s32 $0x2800, s10;
	s19 =	simm.s32 $0x4;
	_ =	swait.ge [sflag:s23], $0x4000  }
0x4f: {  	p1 =	por $0x0, $0x0;
	s14 =	sadd.s32 $0x2800, s9;
	s6 =	rddreg [dreg:$0x8]  }
0x50: {  	s0 =	sadd.s32 $0x2800, s8;
	s2 =	sadd.s32 $0x2800, s4;
	s31 =	sadd.s32 $0x2800, s6  }
.LBB2_2:
0x51: {  	[sflag:s23] =	ssyncset.done $0x0  }
0x52: {  	s5 =	simm.s32 @!p1 $0xA;
	[sflag:s23] =	ssyncadd.s32 $0xFFFFC000  }
0x53: {  	[hbm4b:s6+s3] =	stream.linear.scatter [tilespmem:s20], [sflag:$0xA], $0x4000, $0x38;
	[tilespmem:$0x15C00] =	vst v63  }
0x54: {  	_ =	swait.ge @!p1 [sflag:s5], $0x4000  }
0x55: {  	s24 =	simm.s32 @!p1 $0x11C00;
	s6 =	sshra.s32 @!p1 s17, $0x2;
	[sflag:s5] =	ssyncset.done @!p1 $0x0  }
0x56: {  	s26 =	simm.s32 @!p1 $0x80;
	s25 =	sadd.s32 @!p1 $0x200, s6;
	[sflag:s5] =	ssyncadd.s32 @!p1 $0xFFFFC000  }
0x57: {  	[tilespmem:s24], [sflag:$0x5] =	stream.indirect.gather @!p1 [hbm4b:s1+s26], $0x80, s25, s26, $0xb8;
	[tilespmem:$0x15C00] =	vst v63  }
0x58: {  	_ =	swait.ge [sflag:s21], $0x4000  }
0x59: {  	s11 =	smov.u32 s18;
	p1 =	seq.s32 s17, $0x5A00;
	[sflag:s21] =	ssyncset.done $0x0  }
0x5a: {  	s5 =	simm.s32 @p1 $0x2;
	s17 =	sshra.s32 @!p1 s17, $0x2;
	[sflag:s21] =	ssyncadd.s32 $0xFFFFC000  }
0x5b: {  	[hbm4b:s15+s3] =	stream.linear.scatter [tilespmem:s13], [sflag:$0x6], $0x4000, $0x38;
	[tilespmem:$0x15C00] =	vst v63  }
0x5c: {  	s29 =	simm.s32 @p1 $0x0;
	s7 =	simm.s32 @p1 $0x5C00;
	_ =	swait.ge @p1 [sflag:s5], $0x4000  }
0x5d: {  	s4 =	simm.s32 @!p1 $0x6;
	s25 =	sadd.s32 @!p1 $0x280, s17;
	[sflag:s5] =	ssyncset.done @p1 $0x0  }
0x5e: {  	s26 =	sadd.s32 @!p1 $0x300, s17;
	s28 =	rddreg [dreg:$0x4];
	[sflag:s5] =	ssyncadd.s32 @p1 $0xFFFFC000  }
0x5f: {  	[hbm4b:s28+s29] =	stream.linear.scatter @p1 [tilespmem:s7], [sflag:$0x7], $0x4000, $0x38;
	[tilespmem:$0x15C00] =	vst v63  }
0x60: {  	s24 =	sadd.s32 @!p1 $0x380, s17;
	s5 =	sadd.s32 @!p1 $0x400, s17;
	_ =	swait.ge @!p1 [sflag:s4], $0x4000  }
0x61: {  	s17 =	smov.u32 s11;
	s11 =	simm.s32 @!p1 $0x80;
	[sflag:s4] =	ssyncset.done @!p1 $0x0  }
0x62: {  	s7 =	simm.s32 @!p1 $0x1C00;
	[sflag:s4] =	ssyncadd.s32 @!p1 $0xFFFFC000;
	s4 =	simm.s32 @!p1 $0x2  }
0x63: {  	[tilespmem:s7], [sflag:$0x1] =	stream.indirect.gather @!p1 [hbm4b:s1+s11], $0x80, s25, s11, $0xb8;
	[tilespmem:$0x15C00] =	vst v63  }
0x64: {  	_ =	swait.ge @!p1 [sflag:s4], $0x4000  }
0x65: {  	s7 =	simm.s32 @!p1 $0x0;
	[sflag:s4] =	ssyncset.done @!p1 $0x0  }
0x66: {  	s25 =	simm.s32 @!p1 $0x5C00;
	[sflag:s4] =	ssyncadd.s32 @!p1 $0xFFFFC000;
	s4 =	simm.s32 @!p1 $0x7  }
0x67: {  	[hbm4b:s14+s7] =	stream.linear.scatter @!p1 [tilespmem:s25], [sflag:$0x7], $0x4000, $0x38;
	[tilespmem:$0x15C00] =	vst v63  }
0x68: {  	_ =	swait.ge @!p1 [sflag:s4], $0x4000  }
0x69: {  	[sflag:s4] =	ssyncset.done @!p1 $0x0  }
0x6a: {  	[sflag:s4] =	ssyncadd.s32 @!p1 $0xFFFFC000  }
0x6b: {  	[tilespmem:s25], [sflag:$0x2] =	stream.indirect.gather @!p1 [hbm4b:s1+s11], $0x80, s26, s11, $0xb8;
	[tilespmem:$0x15C00] =	vst v63  }
0x6c: {  	_ =	swait.ge [sflag:s22], $0x4000  }
0x6d: {  	[sflag:s22] =	ssyncset.done $0x0  }
0x6e: {  	s4 =	simm.s32 @p1 $0x4;
	[sflag:s22] =	ssyncadd.s32 $0xFFFFC000  }
0x6f: {  	[hbm4b:s0+s3] =	stream.linear.scatter [tilespmem:s16], [sflag:$0x8], $0x4000, $0x38;
	[tilespmem:$0x15C00] =	vst v63  }
0x70: {  	_ =	swait.ge @p1 [sflag:s4], $0x4000  }
0x71: {  	s26 =	simm.s32 @!p1 $0x8;
	[sflag:s4] =	ssyncset.done @p1 $0x0  }
0x72: {  	s25 =	rddreg [dreg:$0x5];
	[sflag:s4] =	ssyncadd.s32 @p1 $0xFFFFC000;
	s4 =	simm.s32 @p1 $0xDC00  }
0x73: {  	[hbm4b:s25+s29] =	stream.linear.scatter @p1 [tilespmem:s4], [sflag:$0x9], $0x4000, $0x38;
	[tilespmem:$0x15C00] =	vst v63  }
0x74: {  	_ =	swait.ge @!p1 [sflag:s26], $0x4000  }
0x75: {  	[sflag:s26] =	ssyncset.done @!p1 $0x0  }
0x76: {  	s4 =	simm.s32 @!p1 $0x9C00;
	s25 =	simm.s32 @!p1 $0x4;
	[sflag:s26] =	ssyncadd.s32 @!p1 $0xFFFFC000  }
0x77: {  	[tilespmem:s4], [sflag:$0x3] =	stream.indirect.gather @!p1 [hbm4b:s1+s11], $0x80, s24, s11, $0xb8;
	[tilespmem:$0x15C00] =	vst v63  }
0x78: {  	s18 =	sadd.s32 $0xA00, s18;
	_ =	swait.ge @!p1 [sflag:s25], $0x4000  }
0x79: {  	s19 =	sadd.s32 $0x5, s19;
	p0 =	sne.s32 s18, $0x6400;
	[sflag:s25] =	ssyncset.done @!p1 $0x0  }
0x7a: {  	s4 =	simm.s32 @!p1 $0xDC00;
	s24 =	simm.s32 @!p1 $0x9;
	[sflag:s25] =	ssyncadd.s32 @!p1 $0xFFFFC000  }
0x7b: {  	[hbm4b:s2+s7] =	stream.linear.scatter @!p1 [tilespmem:s4], [sflag:$0x9], $0x4000, $0x38;
	[tilespmem:$0x15C00] =	vst v63  }
.Ltmp0:
0x7c: {  	s6 =	smov.u32 s31;
	_ =	swait.ge @!p1 [sflag:s24], $0x4000;
	(pc) =	sbr.rel @p0 .LBB2_2-.Ltmp0, $4  }
0x7d: {  	s31 =	sadd.s32 $0x2800, s31;
	s15 =	sadd.s32 $0x2800, s15;
	[sflag:s24] =	ssyncset.done @!p1 $0x0  }
0x7e: {  	s14 =	sadd.s32 $0x2800, s14;
	s0 =	sadd.s32 $0x2800, s0;
	[sflag:s24] =	ssyncadd.s32 @!p1 $0xFFFFC000  }
0x7f: {  	[tilespmem:s4], [sflag:$0x4] =	stream.indirect.gather @!p1 [hbm4b:s1+s11], $0x80, s5, s11, $0xb8;
	[tilespmem:$0x15C00] =	vst v63  }
0x80: {  	s2 =	sadd.s32 $0x2800, s2;
	p1 =	sgt.u32 s19, $0x2C;
	_ =	swait.ge [sflag:s23], $0x4000  }
0x81: {  	[sflag:s23] =	ssyncset.done $0x0  }
0x82: {  	s4 =	simm.s32 @!p1 $0xA;
	[sflag:s23] =	ssyncadd.s32 $0xFFFFC000  }
0x83: {  	[hbm4b:s6+s3] =	stream.linear.scatter [tilespmem:s20], [sflag:$0xA], $0x4000, $0x38;
	[tilespmem:$0x15C00] =	vst v63  }
0x84: {  	s5 =	sshra.s32 @!p1 s17, $0x2;
	_ =	swait.ge @!p1 [sflag:s4], $0x4000  }
0x85: {  	s5 =	sadd.s32 @!p1 $0x200, s5;
	[sflag:s4] =	ssyncset.done @!p1 $0x0  }
0x86: {  	s6 =	simm.s32 @!p1 $0x11C00;
	[sflag:s4] =	ssyncadd.s32 @!p1 $0xFFFFC000;
	s4 =	simm.s32 @!p1 $0x80  }
0x87: {  	[tilespmem:s6], [sflag:$0x5] =	stream.indirect.gather @!p1 [hbm4b:s1+s4], $0x80, s5, s4, $0xb8;
	[tilespmem:$0x15C00] =	vst v63  }
0x88: {  	_ =	swait.ge [sflag:s21], $0x4000  }
0x89: {  	p0 =	seq.s32 s17, $0x5A00;
	[sflag:s21] =	ssyncset.done $0x0  }
0x8a: {  	s4 =	simm.s32 @p0 $0x2;
	[sflag:s21] =	ssyncadd.s32 $0xFFFFC000  }
0x8b: {  	[hbm4b:s15+s3] =	stream.linear.scatter [tilespmem:s13], [sflag:$0x6], $0x4000, $0x38;
	[tilespmem:$0x15C00] =	vst v63  }
0x8c: {  	_ =	swait.ge @p0 [sflag:s4], $0x4000  }
0x8d: {  	s7 =	simm.s32 @!p0 $0x6;
	s6 =	simm.s32 @p0 $0x5C00;
	[sflag:s4] =	ssyncset.done @p0 $0x0  }
0x8e: {  	s5 =	rddreg [dreg:$0x4];
	[sflag:s4] =	ssyncadd.s32 @p0 $0xFFFFC000;
	s4 =	simm.s32 @p0 $0x0  }
0x8f: {  	[hbm4b:s5+s4] =	stream.linear.scatter @p0 [tilespmem:s6], [sflag:$0x7], $0x4000, $0x38;
	[tilespmem:$0x15C00] =	vst v63  }
0x90: {  	_ =	swait.ge @!p0 [sflag:s7], $0x4000  }
0x91: {  	s11 =	simm.s32 @!p0 $0x80;
	s5 =	sshra.s32 @!p0 s17, $0x2;
	[sflag:s7] =	ssyncset.done @!p0 $0x0  }
0x92: {  	s6 =	sadd.s32 @!p0 $0x280, s5;
	[sflag:s7] =	ssyncadd.s32 @!p0 $0xFFFFC000;
	s7 =	simm.s32 @!p0 $0x1C00  }
0x93: {  	[tilespmem:s7], [sflag:$0x1] =	stream.indirect.gather @!p0 [hbm4b:s1+s11], $0x80, s6, s11, $0xb8;
	[tilespmem:$0x15C00] =	vst v63  }
0x94: {  	s6 =	simm.s32 @!p0 $0x2  }
0x95: {  	_ =	swait.ge @!p0 [sflag:s6], $0x4000  }
0x96: {  	[sflag:s6] =	ssyncset.done @!p0 $0x0  }
0x97: {  	s7 =	simm.s32 @!p0 $0x0;
	[sflag:s6] =	ssyncadd.s32 @!p0 $0xFFFFC000;
	s6 =	simm.s32 @!p0 $0x5C00  }
0x98: {  	[hbm4b:s14+s7] =	stream.linear.scatter @!p0 [tilespmem:s6], [sflag:$0x7], $0x4000, $0x38;
	[tilespmem:$0x15C00] =	vst v63  }
0x99: {  	s14 =	simm.s32 @!p0 $0x7  }
0x9a: {  	_ =	swait.ge @!p0 [sflag:s14], $0x4000  }
0x9b: {  	[sflag:s14] =	ssyncset.done @!p0 $0x0  }
0x9c: {  	[sflag:s14] =	ssyncadd.s32 @!p0 $0xFFFFC000;
	s14 =	sadd.s32 @!p0 $0x300, s5  }
0x9d: {  	[tilespmem:s6], [sflag:$0x2] =	stream.indirect.gather @!p0 [hbm4b:s1+s11], $0x80, s14, s11, $0xb8;
	[tilespmem:$0x15C00] =	vst v63  }
0x9e: {  	_ =	swait.ge [sflag:s22], $0x4000  }
0x9f: {  	[sflag:s22] =	ssyncset.done $0x0  }
0xa0: {  	s6 =	simm.s32 @p0 $0x4;
	[sflag:s22] =	ssyncadd.s32 $0xFFFFC000  }
0xa1: {  	[hbm4b:s0+s3] =	stream.linear.scatter [tilespmem:s16], [sflag:$0x8], $0x4000, $0x38;
	[tilespmem:$0x15C00] =	vst v63  }
0xa2: {  	_ =	swait.ge @p0 [sflag:s6], $0x4000  }
0xa3: {  	[sflag:s6] =	ssyncset.done @p0 $0x0  }
0xa4: {  	s0 =	rddreg [dreg:$0x5];
	[sflag:s6] =	ssyncadd.s32 @p0 $0xFFFFC000;
	s6 =	simm.s32 @p0 $0xDC00  }
0xa5: {  	[hbm4b:s0+s4] =	stream.linear.scatter @p0 [tilespmem:s6], [sflag:$0x9], $0x4000, $0x38;
	[tilespmem:$0x15C00] =	vst v63  }
0xa6: {  	s0 =	simm.s32 @!p0 $0x8  }
0xa7: {  	_ =	swait.ge @!p0 [sflag:s0], $0x4000  }
0xa8: {  	[sflag:s0] =	ssyncset.done @!p0 $0x0  }
0xa9: {  	s4 =	sadd.s32 @!p0 $0x380, s5;
	[sflag:s0] =	ssyncadd.s32 @!p0 $0xFFFFC000;
	s0 =	simm.s32 @!p0 $0x9C00  }
0xaa: {  	[tilespmem:s0], [sflag:$0x3] =	stream.indirect.gather @!p0 [hbm4b:s1+s11], $0x80, s4, s11, $0xb8;
	[tilespmem:$0x15C00] =	vst v63  }
0xab: {  	s0 =	simm.s32 @!p0 $0x4  }
0xac: {  	_ =	swait.ge @!p0 [sflag:s0], $0x4000  }
0xad: {  	[sflag:s0] =	ssyncset.done @!p0 $0x0  }
0xae: {  	[sflag:s0] =	ssyncadd.s32 @!p0 $0xFFFFC000;
	s0 =	simm.s32 @!p0 $0xDC00  }
0xaf: {  	[hbm4b:s2+s7] =	stream.linear.scatter @!p0 [tilespmem:s0], [sflag:$0x9], $0x4000, $0x38;
	[tilespmem:$0x15C00] =	vst v63  }
0xb0: {  	s2 =	simm.s32 @!p0 $0x9  }
0xb1: {  	_ =	swait.ge @!p0 [sflag:s2], $0x4000  }
0xb2: {  	[sflag:s2] =	ssyncset.done @!p0 $0x0  }
0xb3: {  	[sflag:s2] =	ssyncadd.s32 @!p0 $0xFFFFC000;
	s2 =	sadd.s32 @!p0 $0x400, s5  }
0xb4: {  	[tilespmem:s0], [sflag:$0x4] =	stream.indirect.gather @!p0 [hbm4b:s1+s11], $0x80, s2, s11, $0xb8;
	[tilespmem:$0x15C00] =	vst v63  }
0xb5: {  	_ =	swait.ge [sflag:s23], $0x4000  }
0xb6: {  	[sflag:s23] =	ssyncset.done $0x0  }
0xb7: {  	s24 =	simm.s32 $0x6;
	[sflag:s23] =	ssyncadd.s32 $0xFFFFC000  }
0xb8: {  	[hbm4b:s31+s3] =	stream.linear.scatter [tilespmem:s20], [sflag:$0xA], $0x4000, $0x38;
	[tilespmem:$0x15C00] =	vst v63  }
0xb9: {  	_ =	swait.ge [sflag:s24], $0x4000  }
0xba: {  	[sflag:s24] =	ssyncset.done $0x0  }
0xbb: {  	s25 =	simm.s32 $0x7;
	[sflag:s24] =	ssyncadd.s32 $0xFFFFC000  }
0xbc: {  	_ =	swait.ge [sflag:s25], $0x4000  }
0xbd: {  	[sflag:s25] =	ssyncset.done $0x0  }
0xbe: {  	s26 =	simm.s32 $0x8;
	[sflag:s25] =	ssyncadd.s32 $0xFFFFC000  }
0xbf: {  	_ =	swait.ge [sflag:s26], $0x4000  }
0xc0: {  	[sflag:s26] =	ssyncset.done $0x0  }
0xc1: {  	s28 =	simm.s32 $0x9;
	[sflag:s26] =	ssyncadd.s32 $0xFFFFC000  }
0xc2: {  	_ =	swait.ge [sflag:s28], $0x4000  }
0xc3: {  	[sflag:s28] =	ssyncset.done $0x0  }
0xc4: {  	s29 =	simm.s32 $0xA;
	[sflag:s28] =	ssyncadd.s32 $0xFFFFC000  }
0xc5: {  	_ =	swait.ge [sflag:s29], $0x4000  }
0xc6: {  	s30 =	sadd.s32 $0x1, s30;
	s31 =	rddreg [dreg:$0x7]  }
0xc7: {  	p0 =	sne.s32 s30, s31  }
.Ltmp1:
0xc8: {  	_ = 	snop;
	(pc) =	sbr.rel @p0 .LBB2_1-.Ltmp1, $3  }
0xc9: {  	_ =	sdelay $0x1  }
0xca: {  	[sflag:s29] =	ssyncset.done $0x0  }
0xcb: {  	[sflag:s29] =	ssyncadd.s32 $0xFFFFC000  }
0xcc: {  	_ =	sfence.sel $0x180000  }
0xcd: {  	[bflag:$0x0] =	sbarrier.arrive $0xFFFF  }
0xce: {  	_ =	strace $0x90000047  }
0xcf: {  	s0 =	stileid.u32;
	[bflag:$0x2] =	sbarrier.arrive $0xFFFF  }
0xd0: {  	p0 =	sne.s32 s0, $0x0;
	s0 =	rddreg [dreg:$0x3]  }
0xd1: {  	s0 =	sadd.s32 @!p0 $0x100000, s0  }
0xd2: {  	[sflag:s0] =	ssyncadd.tile.s32 @!p0 $0x1;
	_ =	shalt  }
.Lfunc_end2:
_tile_overlayer_lowered:
.L_overlay_start_2:
0xd3: {  	(tag) =	ssettag $0x2  }
0xd4: {  	s0 =	rddreg [dreg:$0x0];
	s2 =	stileid.u32  }
0xd5: {  	s1 =	rddreg [dreg:$0x1];
	p0 =	sne.s32 s2, $0x0  }
0xd6: {  	s3 =	rddreg [dreg:$0x2];
	[bflag:$0x3] =	sbarrier.arrive $0xFFFF;
	s2 =	simm.s32 @!p0 $0x1C0B  }
0xd7: {  	[timem:s3], [sflag:s2] =	dma.local @!p0 [hbm:s0], s1  }
0xd8: {  	s0 =	simm.s32 @!p0 $0xB  }
0xd9: {  	_ =	swait.ge @!p0 [sflag:s0], s1  }
0xda: {  	s1 =	ssub.s32 @!p0 $0x0, s1;
	[sflag:s0] =	ssyncset.done @!p0 $0x0  }
0xdb: {  	[sflag:s0] =	ssyncadd.s32 @!p0 s1  }
0xdc: {  	[bflag:$0x3] =	sbarrier.arrive $0xFFFF  }
0xdd: {  	_ =	shalt  }

</sc_bundles>
